<compile_context>
chip_gen: v7x
topology: tpu7x:2x2x1
jax: 0.10.2.dev20260603
libtpu: 0.0.44.dev20260713+nightly
codegen_flags: <defaults>
</compile_context>

<pallas_src>
import jax
import jax.numpy as jnp
from jax import lax
from jax.experimental import pallas as pl
from jax.experimental.pallas import tpu as pltpu
from jax.experimental.pallas import tpu_sc as plsc

N = 10000
E = 160000
IN_DIM = 256
OUT_DIM = 256

NC = 2
NS = 16
HALF = OUT_DIM // 2
EPT = E // NS
CHUNK = 128
EPT_PAD = 10240
NCHUNK = EPT_PAD // CHUNK
HNCHUNK = NCHUNK // 2
PAD_N = 10240
ROWS_PT = PAD_N // NS


def _mm_body(x_ref, wt_ref, b_ref, o_ref):
    ht = jnp.dot(x_ref[...], wt_ref[...], preferred_element_type=jnp.float32)
    ht = ht + b_ref[...]
    o_ref[0, :, :] = ht[:, :HALF]
    o_ref[1, :, :] = ht[:, HALF:]


def _matmul_split(x, Wt, b2):
    TN = 1000
    grid = (N // TN,)
    return pl.pallas_call(
        _mm_body,
        grid=grid,
        in_specs=[
            pl.BlockSpec((TN, IN_DIM), lambda i: (i, 0)),
            pl.BlockSpec((IN_DIM, OUT_DIM), lambda i: (0, 0)),
            pl.BlockSpec((1, OUT_DIM), lambda i: (0, 0)),
        ],
        out_specs=pl.BlockSpec((2, TN, HALF), lambda i: (0, i, 0)),
        out_shape=jax.ShapeDtypeStruct((2, N, HALF), jnp.float32),
    )(x, Wt, b2)


def _sc_body(h2_hbm, src_hbm, dst_hbm, out_hbm,
             src_v, dst_v, rows_a, rows_b, acc_sh, sem_a, sem_b):
    c = lax.axis_index("c")
    s = lax.axis_index("s")
    hc = h2_hbm.at[c]

    rows_a[...] = jnp.zeros((CHUNK, HALF), jnp.float32)
    for k in range(ROWS_PT // CHUNK):
        pltpu.sync_copy(rows_a,
                        acc_sh.at[pl.ds(s * ROWS_PT + k * CHUNK, CHUNK)])
    plsc.subcore_barrier()

    for h in range(2):
        pltpu.sync_copy(src_hbm.at[s, pl.ds(h * HNCHUNK, HNCHUNK)], src_v)
        pltpu.sync_copy(dst_hbm.at[s, pl.ds(h * HNCHUNK, HNCHUNK)], dst_v)
        pltpu.async_copy(hc.at[src_v.at[0]], rows_a, sem_a)
        pltpu.async_copy(hc.at[src_v.at[1]], rows_b, sem_b)

        @pl.loop(0, HNCHUNK // 2)
        def _(j):
            ja = 2 * j
            pltpu.make_async_copy(hc.at[src_v.at[ja]], rows_a,
                                  sem_a).wait()
            pltpu.sync_copy(rows_a, acc_sh.at[dst_v.at[ja]], add=True)

            @pl.when(j < HNCHUNK // 2 - 1)
            def _():
                pltpu.async_copy(hc.at[src_v.at[ja + 2]], rows_a, sem_a)

            pltpu.make_async_copy(hc.at[src_v.at[ja + 1]], rows_b,
                                  sem_b).wait()
            pltpu.sync_copy(rows_b, acc_sh.at[dst_v.at[ja + 1]], add=True)

            @pl.when(j < HNCHUNK // 2 - 1)
            def _():
                pltpu.async_copy(hc.at[src_v.at[ja + 3]], rows_b, sem_b)

    plsc.subcore_barrier()
    pltpu.sync_copy(acc_sh.at[pl.ds(s * ROWS_PT, ROWS_PT)],
                    out_hbm.at[c, pl.ds(s * ROWS_PT, ROWS_PT)])


def _sc_aggregate(h2, src_p, dst3):
    mesh = plsc.VectorSubcoreMesh(core_axis_name="c", subcore_axis_name="s")
    run = pl.kernel(
        _sc_body,
        out_type=jax.ShapeDtypeStruct((2, PAD_N, HALF), jnp.float32),
        mesh=mesh,
        scratch_types=[
            pltpu.VMEM((HNCHUNK, CHUNK), jnp.int32),
            pltpu.VMEM((HNCHUNK, CHUNK), jnp.int32),
            pltpu.VMEM((CHUNK, HALF), jnp.float32),
            pltpu.VMEM((CHUNK, HALF), jnp.float32),
            pltpu.VMEM_SHARED((PAD_N, HALF), jnp.float32),
            pltpu.SemaphoreType.DMA,
            pltpu.SemaphoreType.DMA,
        ],
    )
    return run(h2, src_p, dst3)


def kernel(x, edge_index, W, b):
    Wt = W.T
    b2 = b.reshape(1, OUT_DIM)
    h2 = _matmul_split(x, Wt, b2)

    src = edge_index[0].astype(jnp.int32).reshape(NS, EPT)
    dst = edge_index[1].astype(jnp.int32).reshape(NS, EPT)
    npad = EPT_PAD - EPT
    pad_src = jnp.broadcast_to((jnp.arange(npad, dtype=jnp.int32) * 41) % N,
                               (NS, npad))
    pad_dst = jnp.broadcast_to(jnp.arange(N, N + npad, dtype=jnp.int32),
                               (NS, npad))
    src_p = jnp.concatenate([src, pad_src], axis=1).reshape(NS, NCHUNK, CHUNK)
    dst3 = jnp.concatenate([dst, pad_dst], axis=1).reshape(NS, NCHUNK, CHUNK)

    out2 = _sc_aggregate(h2, src_p, dst3)
    return jnp.concatenate([out2[0, :N], out2[1, :N]], axis=1)

# --- scband reference (transcript-rebuilt; emitter-appended) ---
"""Pipeline reference for scband-user-defined-layer-91156385891001 (READ-ONLY COPY).

The authoritative reference and input builder live on the scoring server;
editing this copy changes nothing except your own understanding.
"""

import jax, jax.numpy as jnp
import numpy as np

N = 10000
E = 160000
IN_DIM = 256
OUT_DIM = 256


def setup_inputs(seed: int = 0) -> dict:
    key = jax.random.key(seed)
    k1, k2, k3, k4 = jax.random.split(key, 4)
    x = jax.random.normal(k1, (N, IN_DIM), dtype=jnp.float32)
    edge_index = jax.random.randint(k2, (2, E), 0, N)
    stdv = 1.0 / np.sqrt(OUT_DIM)
    # matches reset_parameters: uniform(-stdv, stdv) on weight; bias default torch init (also uniform)
    W = jax.random.uniform(k3, (OUT_DIM, IN_DIM), minval=-stdv, maxval=stdv, dtype=jnp.float32)
    b = jax.random.uniform(k4, (OUT_DIM,), minval=-stdv, maxval=stdv, dtype=jnp.float32)
    return {"x": x, "edge_index": edge_index, "W": W, "b": b}


def reference(x, edge_index, W, b):
    # node_feat_lin
    h = x @ W.T + b
    src_node_id = edge_index[0]
    dst_node_id = edge_index[1]
    # message: keep_source -> gather
    m = h[src_node_id]
    # aggregate: add -> scatter_add into zeros[N, out_dim] indexed by dst
    out = jnp.zeros((x.shape[0], h.shape[1]), dtype=h.dtype)
    out = out.at[dst_node_id].add(m)
    return out

if __name__ == "__main__":
    import jax
    _d = setup_inputs()
    print(jax.jit(kernel)(*tuple(_d.values())))

</pallas_src>

<mosaic_0001>
#map = affine_map<(d0, d1) -> (0, 0, 0)>
module attributes {stable_mosaic.version = 14 : i64} {
  func.func @_sc_body(%arg0: i32, %arg1: i32, %arg2: memref<2x10000x128xf32, #tpu.memory_space<hbm>>, %arg3: memref<16x80x128xi32, #tpu.memory_space<hbm>>, %arg4: memref<16x80x128xi32, #tpu.memory_space<hbm>>, %arg5: memref<2x10240x128xf32, #tpu.memory_space<hbm>>, %arg6: memref<40x128xi32, #tpu.memory_space<vmem>>, %arg7: memref<40x128xi32, #tpu.memory_space<vmem>>, %arg8: memref<128x128xf32, #tpu.memory_space<vmem>>, %arg9: memref<128x128xf32, #tpu.memory_space<vmem>>, %arg10: memref<10240x128xf32, #tpu.memory_space<vmem_shared>>, %arg11: memref<!tpu.dma_semaphore, #tpu.memory_space<semaphore_mem>>, %arg12: memref<!tpu.dma_semaphore, #tpu.memory_space<semaphore_mem>>) attributes {dimension_semantics = [#tpu.dimension_semantics<core_parallel>, #tpu.dimension_semantics<subcore_parallel>], iteration_bounds = array<i64: 2, 16>, scalar_prefetch = 0 : i64, scratch_operands = 7 : i64, tpu.core_type = #tpu.core_type<sc_vector_subcore>, window_params = [{transform_indices = #map}, {transform_indices = #map}, {transform_indices = #map}, {transform_indices = #map}]} {
    %broadcast_in_dim3A = arith.constant 0.000000e+00 : f32
    %broadcast_in_dim3A_0 = vector.broadcast %broadcast_in_dim3A : f32 to vector<128x128xf32>
    %swap3A = arith.constant 0 : index
    %swap3A_1 = arith.constant 0 : index
    %swap3A_2 = tpu.vector_load %arg8[%swap3A, %swap3A_1] {strides = array<i32>} : memref<128x128xf32, #tpu.memory_space<vmem>>, vector<128x128xf32>,
    %swap3A_3 = vector.shape_cast %swap3A_2 : vector<128x128xf32> to vector<128x128xf32>
    %swap3A_4 = vector.shape_cast %broadcast_in_dim3A_0 : vector<128x128xf32> to vector<128x128xf32>
    tpu.vector_store %arg8[%swap3A, %swap3A_1], %swap3A_4 {strides = array<i32>} : memref<128x128xf32, #tpu.memory_space<vmem>>, vector<128x128xf32>,
    %mul3A = arith.constant 640 : i32
    %mul3A_5 = arith.muli %arg1, %mul3A : i32
    %add3A = arith.constant 0 : i32
    %add3A_6 = arith.addi %mul3A_5, %add3A : i32
    "tpu.region"() ({
      %run_scoped3A = tpu.sem_alloc : memref<!tpu.dma_semaphore, #tpu.memory_space<semaphore_mem>>
      %dma_start3A_80 = arith.constant 0 : i32
      %dma_start3A_81 = tpu.memref_slice %arg10[%add3A_6, %dma_start3A_80] : memref<10240x128xf32, #tpu.memory_space<vmem_shared>> -> memref<128x128xf32, #tpu.memory_space<vmem_shared>>
      %dma_start3A_82 = arith.constant 0 : i32
      %dma_start3A_83 = tpu.memref_slice %arg10[%add3A_6, %dma_start3A_82] : memref<10240x128xf32, #tpu.memory_space<vmem_shared>> -> memref<128x128xf32, #tpu.memory_space<vmem_shared>>
      tpu.enqueue_dma source(%arg8 : memref<128x128xf32, #tpu.memory_space<vmem>>) target(%dma_start3A_83 : memref<128x128xf32, #tpu.memory_space<vmem_shared>>) target_semaphore(%run_scoped3A : memref<!tpu.dma_semaphore, #tpu.memory_space<semaphore_mem>>)
      %dma_wait3A = arith.constant 0 : i32
      %dma_wait3A_84 = tpu.memref_slice %arg10[%add3A_6, %dma_wait3A] : memref<10240x128xf32, #tpu.memory_space<vmem_shared>> -> memref<128x128xf32, #tpu.memory_space<vmem_shared>>
      %dma_wait3A_85 = arith.constant 0 : i32
      %dma_wait3A_86 = tpu.memref_slice %arg10[%add3A_6, %dma_wait3A_85] : memref<10240x128xf32, #tpu.memory_space<vmem_shared>> -> memref<128x128xf32, #tpu.memory_space<vmem_shared>>
      tpu.wait_dma2 semaphore(%run_scoped3A : memref<!tpu.dma_semaphore, #tpu.memory_space<semaphore_mem>>) src(%arg8 : memref<128x128xf32, #tpu.memory_space<vmem>>) dst(%dma_wait3A_86 : memref<128x128xf32, #tpu.memory_space<vmem_shared>>)
      tpu.yield
    }) : () -> ()
    %mul3A_7 = arith.constant 640 : i32
    %mul3A_8 = arith.muli %arg1, %mul3A_7 : i32
    %add3A_9 = arith.constant 128 : i32
    %add3A_10 = arith.addi %mul3A_8, %add3A_9 : i32
    "tpu.region"() ({
      %run_scoped3A = tpu.sem_alloc : memref<!tpu.dma_semaphore, #tpu.memory_space<semaphore_mem>>
      %dma_start3A_80 = arith.constant 0 : i32
      %dma_start3A_81 = tpu.memref_slice %arg10[%add3A_10, %dma_start3A_80] : memref<10240x128xf32, #tpu.memory_space<vmem_shared>> -> memref<128x128xf32, #tpu.memory_space<vmem_shared>>
      %dma_start3A_82 = arith.constant 0 : i32
      %dma_start3A_83 = tpu.memref_slice %arg10[%add3A_10, %dma_start3A_82] : memref<10240x128xf32, #tpu.memory_space<vmem_shared>> -> memref<128x128xf32, #tpu.memory_space<vmem_shared>>
      tpu.enqueue_dma source(%arg8 : memref<128x128xf32, #tpu.memory_space<vmem>>) target(%dma_start3A_83 : memref<128x128xf32, #tpu.memory_space<vmem_shared>>) target_semaphore(%run_scoped3A : memref<!tpu.dma_semaphore, #tpu.memory_space<semaphore_mem>>)
      %dma_wait3A = arith.constant 0 : i32
      %dma_wait3A_84 = tpu.memref_slice %arg10[%add3A_10, %dma_wait3A] : memref<10240x128xf32, #tpu.memory_space<vmem_shared>> -> memref<128x128xf32, #tpu.memory_space<vmem_shared>>
      %dma_wait3A_85 = arith.constant 0 : i32
      %dma_wait3A_86 = tpu.memref_slice %arg10[%add3A_10, %dma_wait3A_85] : memref<10240x128xf32, #tpu.memory_space<vmem_shared>> -> memref<128x128xf32, #tpu.memory_space<vmem_shared>>
      tpu.wait_dma2 semaphore(%run_scoped3A : memref<!tpu.dma_semaphore, #tpu.memory_space<semaphore_mem>>) src(%arg8 : memref<128x128xf32, #tpu.memory_space<vmem>>) dst(%dma_wait3A_86 : memref<128x128xf32, #tpu.memory_space<vmem_shared>>)
      tpu.yield
    }) : () -> ()
    %mul3A_11 = arith.constant 640 : i32
    %mul3A_12 = arith.muli %arg1, %mul3A_11 : i32
    %add3A_13 = arith.constant 256 : i32
    %add3A_14 = arith.addi %mul3A_12, %add3A_13 : i32
    "tpu.region"() ({
      %run_scoped3A = tpu.sem_alloc : memref<!tpu.dma_semaphore, #tpu.memory_space<semaphore_mem>>
      %dma_start3A_80 = arith.constant 0 : i32
      %dma_start3A_81 = tpu.memref_slice %arg10[%add3A_14, %dma_start3A_80] : memref<10240x128xf32, #tpu.memory_space<vmem_shared>> -> memref<128x128xf32, #tpu.memory_space<vmem_shared>>
      %dma_start3A_82 = arith.constant 0 : i32
      %dma_start3A_83 = tpu.memref_slice %arg10[%add3A_14, %dma_start3A_82] : memref<10240x128xf32, #tpu.memory_space<vmem_shared>> -> memref<128x128xf32, #tpu.memory_space<vmem_shared>>
      tpu.enqueue_dma source(%arg8 : memref<128x128xf32, #tpu.memory_space<vmem>>) target(%dma_start3A_83 : memref<128x128xf32, #tpu.memory_space<vmem_shared>>) target_semaphore(%run_scoped3A : memref<!tpu.dma_semaphore, #tpu.memory_space<semaphore_mem>>)
      %dma_wait3A = arith.constant 0 : i32
      %dma_wait3A_84 = tpu.memref_slice %arg10[%add3A_14, %dma_wait3A] : memref<10240x128xf32, #tpu.memory_space<vmem_shared>> -> memref<128x128xf32, #tpu.memory_space<vmem_shared>>
      %dma_wait3A_85 = arith.constant 0 : i32
      %dma_wait3A_86 = tpu.memref_slice %arg10[%add3A_14, %dma_wait3A_85] : memref<10240x128xf32, #tpu.memory_space<vmem_shared>> -> memref<128x128xf32, #tpu.memory_space<vmem_shared>>
      tpu.wait_dma2 semaphore(%run_scoped3A : memref<!tpu.dma_semaphore, #tpu.memory_space<semaphore_mem>>) src(%arg8 : memref<128x128xf32, #tpu.memory_space<vmem>>) dst(%dma_wait3A_86 : memref<128x128xf32, #tpu.memory_space<vmem_shared>>)
      tpu.yield
    }) : () -> ()
    %mul3A_15 = arith.constant 640 : i32
    %mul3A_16 = arith.muli %arg1, %mul3A_15 : i32
    %add3A_17 = arith.constant 384 : i32
    %add3A_18 = arith.addi %mul3A_16, %add3A_17 : i32
    "tpu.region"() ({
      %run_scoped3A = tpu.sem_alloc : memref<!tpu.dma_semaphore, #tpu.memory_space<semaphore_mem>>
      %dma_start3A_80 = arith.constant 0 : i32
      %dma_start3A_81 = tpu.memref_slice %arg10[%add3A_18, %dma_start3A_80] : memref<10240x128xf32, #tpu.memory_space<vmem_shared>> -> memref<128x128xf32, #tpu.memory_space<vmem_shared>>
      %dma_start3A_82 = arith.constant 0 : i32
      %dma_start3A_83 = tpu.memref_slice %arg10[%add3A_18, %dma_start3A_82] : memref<10240x128xf32, #tpu.memory_space<vmem_shared>> -> memref<128x128xf32, #tpu.memory_space<vmem_shared>>
      tpu.enqueue_dma source(%arg8 : memref<128x128xf32, #tpu.memory_space<vmem>>) target(%dma_start3A_83 : memref<128x128xf32, #tpu.memory_space<vmem_shared>>) target_semaphore(%run_scoped3A : memref<!tpu.dma_semaphore, #tpu.memory_space<semaphore_mem>>)
      %dma_wait3A = arith.constant 0 : i32
      %dma_wait3A_84 = tpu.memref_slice %arg10[%add3A_18, %dma_wait3A] : memref<10240x128xf32, #tpu.memory_space<vmem_shared>> -> memref<128x128xf32, #tpu.memory_space<vmem_shared>>
      %dma_wait3A_85 = arith.constant 0 : i32
      %dma_wait3A_86 = tpu.memref_slice %arg10[%add3A_18, %dma_wait3A_85] : memref<10240x128xf32, #tpu.memory_space<vmem_shared>> -> memref<128x128xf32, #tpu.memory_space<vmem_shared>>
      tpu.wait_dma2 semaphore(%run_scoped3A : memref<!tpu.dma_semaphore, #tpu.memory_space<semaphore_mem>>) src(%arg8 : memref<128x128xf32, #tpu.memory_space<vmem>>) dst(%dma_wait3A_86 : memref<128x128xf32, #tpu.memory_space<vmem_shared>>)
      tpu.yield
    }) : () -> ()
    %mul3A_19 = arith.constant 640 : i32
    %mul3A_20 = arith.muli %arg1, %mul3A_19 : i32
    %add3A_21 = arith.constant 512 : i32
    %add3A_22 = arith.addi %mul3A_20, %add3A_21 : i32
    "tpu.region"() ({
      %run_scoped3A = tpu.sem_alloc : memref<!tpu.dma_semaphore, #tpu.memory_space<semaphore_mem>>
      %dma_start3A_80 = arith.constant 0 : i32
      %dma_start3A_81 = tpu.memref_slice %arg10[%add3A_22, %dma_start3A_80] : memref<10240x128xf32, #tpu.memory_space<vmem_shared>> -> memref<128x128xf32, #tpu.memory_space<vmem_shared>>
      %dma_start3A_82 = arith.constant 0 : i32
      %dma_start3A_83 = tpu.memref_slice %arg10[%add3A_22, %dma_start3A_82] : memref<10240x128xf32, #tpu.memory_space<vmem_shared>> -> memref<128x128xf32, #tpu.memory_space<vmem_shared>>
      tpu.enqueue_dma source(%arg8 : memref<128x128xf32, #tpu.memory_space<vmem>>) target(%dma_start3A_83 : memref<128x128xf32, #tpu.memory_space<vmem_shared>>) target_semaphore(%run_scoped3A : memref<!tpu.dma_semaphore, #tpu.memory_space<semaphore_mem>>)
      %dma_wait3A = arith.constant 0 : i32
      %dma_wait3A_84 = tpu.memref_slice %arg10[%add3A_22, %dma_wait3A] : memref<10240x128xf32, #tpu.memory_space<vmem_shared>> -> memref<128x128xf32, #tpu.memory_space<vmem_shared>>
      %dma_wait3A_85 = arith.constant 0 : i32
      %dma_wait3A_86 = tpu.memref_slice %arg10[%add3A_22, %dma_wait3A_85] : memref<10240x128xf32, #tpu.memory_space<vmem_shared>> -> memref<128x128xf32, #tpu.memory_space<vmem_shared>>
      tpu.wait_dma2 semaphore(%run_scoped3A : memref<!tpu.dma_semaphore, #tpu.memory_space<semaphore_mem>>) src(%arg8 : memref<128x128xf32, #tpu.memory_space<vmem>>) dst(%dma_wait3A_86 : memref<128x128xf32, #tpu.memory_space<vmem_shared>>)
      tpu.yield
    }) : () -> ()
    %barrier3A = arith.constant 0 : index
    tpu.barrier barrier_id(%barrier3A)
    "tpu.region"() ({
      %run_scoped3A = tpu.sem_alloc : memref<!tpu.dma_semaphore, #tpu.memory_space<semaphore_mem>>
      %dma_start3A_80 = arith.constant 0 : i32
      %dma_start3A_81 = arith.constant 0 : i32
      %dma_start3A_82 = tpu.memref_slice %arg3[%arg1, %dma_start3A_80, %dma_start3A_81] : memref<16x80x128xi32, #tpu.memory_space<hbm>> -> memref<1x40x128xi32, #tpu.memory_space<hbm>>
      %dma_start3A_83 = tpu.memref_squeeze %dma_start3A_82 : memref<1x40x128xi32, #tpu.memory_space<hbm>> -> memref<40x128xi32, #tpu.memory_space<hbm>>
      %dma_start3A_84 = arith.constant 0 : i32
      %dma_start3A_85 = arith.constant 0 : i32
      %dma_start3A_86 = tpu.memref_slice %arg3[%arg1, %dma_start3A_84, %dma_start3A_85] : memref<16x80x128xi32, #tpu.memory_space<hbm>> -> memref<1x40x128xi32, #tpu.memory_space<hbm>>
      %dma_start3A_87 = tpu.memref_squeeze %dma_start3A_86 : memref<1x40x128xi32, #tpu.memory_space<hbm>> -> memref<40x128xi32, #tpu.memory_space<hbm>>
      tpu.enqueue_dma source(%dma_start3A_87 : memref<40x128xi32, #tpu.memory_space<hbm>>) target(%arg6 : memref<40x128xi32, #tpu.memory_space<vmem>>) target_semaphore(%run_scoped3A : memref<!tpu.dma_semaphore, #tpu.memory_space<semaphore_mem>>)
      %dma_wait3A = arith.constant 0 : i32
      %dma_wait3A_88 = arith.constant 0 : i32
      %dma_wait3A_89 = tpu.memref_slice %arg3[%arg1, %dma_wait3A, %dma_wait3A_88] : memref<16x80x128xi32, #tpu.memory_space<hbm>> -> memref<1x40x128xi32, #tpu.memory_space<hbm>>
      %dma_wait3A_90 = tpu.memref_squeeze %dma_wait3A_89 : memref<1x40x128xi32, #tpu.memory_space<hbm>> -> memref<40x128xi32, #tpu.memory_space<hbm>>
      %dma_wait3A_91 = arith.constant 0 : i32
      %dma_wait3A_92 = arith.constant 0 : i32
      %dma_wait3A_93 = tpu.memref_slice %arg3[%arg1, %dma_wait3A_91, %dma_wait3A_92] : memref<16x80x128xi32, #tpu.memory_space<hbm>> -> memref<1x40x128xi32, #tpu.memory_space<hbm>>
      %dma_wait3A_94 = tpu.memref_squeeze %dma_wait3A_93 : memref<1x40x128xi32, #tpu.memory_space<hbm>> -> memref<40x128xi32, #tpu.memory_space<hbm>>
      tpu.wait_dma2 semaphore(%run_scoped3A : memref<!tpu.dma_semaphore, #tpu.memory_space<semaphore_mem>>) src(%dma_wait3A_94 : memref<40x128xi32, #tpu.memory_space<hbm>>) dst(%arg6 : memref<40x128xi32, #tpu.memory_space<vmem>>)
      tpu.yield
    }) : () -> ()
    "tpu.region"() ({
      %run_scoped3A = tpu.sem_alloc : memref<!tpu.dma_semaphore, #tpu.memory_space<semaphore_mem>>
      %dma_start3A_80 = arith.constant 0 : i32
      %dma_start3A_81 = arith.constant 0 : i32
      %dma_start3A_82 = tpu.memref_slice %arg4[%arg1, %dma_start3A_80, %dma_start3A_81] : memref<16x80x128xi32, #tpu.memory_space<hbm>> -> memref<1x40x128xi32, #tpu.memory_space<hbm>>
      %dma_start3A_83 = tpu.memref_squeeze %dma_start3A_82 : memref<1x40x128xi32, #tpu.memory_space<hbm>> -> memref<40x128xi32, #tpu.memory_space<hbm>>
      %dma_start3A_84 = arith.constant 0 : i32
      %dma_start3A_85 = arith.constant 0 : i32
      %dma_start3A_86 = tpu.memref_slice %arg4[%arg1, %dma_start3A_84, %dma_start3A_85] : memref<16x80x128xi32, #tpu.memory_space<hbm>> -> memref<1x40x128xi32, #tpu.memory_space<hbm>>
      %dma_start3A_87 = tpu.memref_squeeze %dma_start3A_86 : memref<1x40x128xi32, #tpu.memory_space<hbm>> -> memref<40x128xi32, #tpu.memory_space<hbm>>
      tpu.enqueue_dma source(%dma_start3A_87 : memref<40x128xi32, #tpu.memory_space<hbm>>) target(%arg7 : memref<40x128xi32, #tpu.memory_space<vmem>>) target_semaphore(%run_scoped3A : memref<!tpu.dma_semaphore, #tpu.memory_space<semaphore_mem>>)
      %dma_wait3A = arith.constant 0 : i32
      %dma_wait3A_88 = arith.constant 0 : i32
      %dma_wait3A_89 = tpu.memref_slice %arg4[%arg1, %dma_wait3A, %dma_wait3A_88] : memref<16x80x128xi32, #tpu.memory_space<hbm>> -> memref<1x40x128xi32, #tpu.memory_space<hbm>>
      %dma_wait3A_90 = tpu.memref_squeeze %dma_wait3A_89 : memref<1x40x128xi32, #tpu.memory_space<hbm>> -> memref<40x128xi32, #tpu.memory_space<hbm>>
      %dma_wait3A_91 = arith.constant 0 : i32
      %dma_wait3A_92 = arith.constant 0 : i32
      %dma_wait3A_93 = tpu.memref_slice %arg4[%arg1, %dma_wait3A_91, %dma_wait3A_92] : memref<16x80x128xi32, #tpu.memory_space<hbm>> -> memref<1x40x128xi32, #tpu.memory_space<hbm>>
      %dma_wait3A_94 = tpu.memref_squeeze %dma_wait3A_93 : memref<1x40x128xi32, #tpu.memory_space<hbm>> -> memref<40x128xi32, #tpu.memory_space<hbm>>
      tpu.wait_dma2 semaphore(%run_scoped3A : memref<!tpu.dma_semaphore, #tpu.memory_space<semaphore_mem>>) src(%dma_wait3A_94 : memref<40x128xi32, #tpu.memory_space<hbm>>) dst(%arg7 : memref<40x128xi32, #tpu.memory_space<vmem>>)
      tpu.yield
    }) : () -> ()
    %dma_start3A = arith.constant 0 : i32
    %dma_start3A_23 = arith.constant 0 : i32
    %dma_start3A_24 = tpu.memref_slice %arg6[%dma_start3A, %dma_start3A_23] : memref<40x128xi32, #tpu.memory_space<vmem>> -> memref<1x128xi32, #tpu.memory_space<vmem>>
    %dma_start3A_25 = tpu.memref_squeeze %dma_start3A_24 : memref<1x128xi32, #tpu.memory_space<vmem>> -> memref<128xi32, #tpu.memory_space<vmem>>
    %dma_start3A_26 = arith.constant 0 : i32
    %dma_start3A_27 = arith.constant 0 : i32
    %dma_start3A_28 = tpu.memref_slice %arg2[%arg0, %dma_start3A_26, %dma_start3A_27] : memref<2x10000x128xf32, #tpu.memory_space<hbm>> -> memref<1x10000x128xf32, #tpu.memory_space<hbm>>
    %dma_start3A_29 = tpu.memref_squeeze %dma_start3A_28 : memref<1x10000x128xf32, #tpu.memory_space<hbm>> -> memref<10000x128xf32, #tpu.memory_space<hbm>>
    %dma_start3A_30 = arith.constant 0 : i32
    %dma_start3A_31 = arith.constant 0 : i32
    %dma_start3A_32 = tpu.memref_slice %dma_start3A_29[%dma_start3A_30, %dma_start3A_31] : memref<10000x128xf32, #tpu.memory_space<hbm>> -> memref<10000x128xf32, #tpu.memory_space<hbm>>
    tpu.enqueue_indirect_dma source(%dma_start3A_32 : memref<10000x128xf32, #tpu.memory_space<hbm>>) target(%arg8 : memref<128x128xf32, #tpu.memory_space<vmem>>) offsets(%dma_start3A_25 : memref<128xi32, #tpu.memory_space<vmem>>) semaphore(%arg11 : memref<!tpu.dma_semaphore, #tpu.memory_space<semaphore_mem>>)
    %dma_start3A_33 = arith.constant 1 : i32
    %dma_start3A_34 = arith.constant 0 : i32
    %dma_start3A_35 = tpu.memref_slice %arg6[%dma_start3A_33, %dma_start3A_34] : memref<40x128xi32, #tpu.memory_space<vmem>> -> memref<1x128xi32, #tpu.memory_space<vmem>>
    %dma_start3A_36 = tpu.memref_squeeze %dma_start3A_35 : memref<1x128xi32, #tpu.memory_space<vmem>> -> memref<128xi32, #tpu.memory_space<vmem>>
    %dma_start3A_37 = arith.constant 0 : i32
    %dma_start3A_38 = arith.constant 0 : i32
    %dma_start3A_39 = tpu.memref_slice %arg2[%arg0, %dma_start3A_37, %dma_start3A_38] : memref<2x10000x128xf32, #tpu.memory_space<hbm>> -> memref<1x10000x128xf32, #tpu.memory_space<hbm>>
    %dma_start3A_40 = tpu.memref_squeeze %dma_start3A_39 : memref<1x10000x128xf32, #tpu.memory_space<hbm>> -> memref<10000x128xf32, #tpu.memory_space<hbm>>
    %dma_start3A_41 = arith.constant 0 : i32
    %dma_start3A_42 = arith.constant 0 : i32
    %dma_start3A_43 = tpu.memref_slice %dma_start3A_40[%dma_start3A_41, %dma_start3A_42] : memref<10000x128xf32, #tpu.memory_space<hbm>> -> memref<10000x128xf32, #tpu.memory_space<hbm>>
    tpu.enqueue_indirect_dma source(%dma_start3A_43 : memref<10000x128xf32, #tpu.memory_space<hbm>>) target(%arg9 : memref<128x128xf32, #tpu.memory_space<vmem>>) offsets(%dma_start3A_36 : memref<128xi32, #tpu.memory_space<vmem>>) semaphore(%arg12 : memref<!tpu.dma_semaphore, #tpu.memory_space<semaphore_mem>>)
    %scan3A = arith.constant 0 : i32
    %scan3A_44 = arith.constant 20 : i32
    %scan3A_45 = arith.addi %scan3A, %scan3A_44 : i32
    %scan3A_46 = arith.constant 1 : i32
    scf.for %scan3A_80 = %scan3A to %scan3A_45 step %scan3A_46  : i32 {
      %mul3A_81 = arith.constant 1 : i32
      %mul3A_82 = arith.muli %scan3A_80, %mul3A_81 : i32
      %add3A_83 = arith.constant 0 : i32
      %add3A_84 = arith.addi %add3A_83, %mul3A_82 : i32
      %mul3A_85 = arith.constant 2 : i32
      %mul3A_86 = arith.muli %mul3A_85, %add3A_84 : i32
      %dma_wait3A = arith.constant 0 : i32
      %dma_wait3A_87 = tpu.memref_slice %arg6[%mul3A_86, %dma_wait3A] : memref<40x128xi32, #tpu.memory_space<vmem>> -> memref<1x128xi32, #tpu.memory_space<vmem>>
      %dma_wait3A_88 = tpu.memref_squeeze %dma_wait3A_87 : memref<1x128xi32, #tpu.memory_space<vmem>> -> memref<128xi32, #tpu.memory_space<vmem>>
      %dma_wait3A_89 = arith.constant 0 : i32
      %dma_wait3A_90 = arith.constant 0 : i32
      %dma_wait3A_91 = tpu.memref_slice %arg2[%arg0, %dma_wait3A_89, %dma_wait3A_90] : memref<2x10000x128xf32, #tpu.memory_space<hbm>> -> memref<1x10000x128xf32, #tpu.memory_space<hbm>>
      %dma_wait3A_92 = tpu.memref_squeeze %dma_wait3A_91 : memref<1x10000x128xf32, #tpu.memory_space<hbm>> -> memref<10000x128xf32, #tpu.memory_space<hbm>>
      %dma_wait3A_93 = arith.constant 0 : i32
      %dma_wait3A_94 = arith.constant 0 : i32
      %dma_wait3A_95 = tpu.memref_slice %dma_wait3A_92[%dma_wait3A_93, %dma_wait3A_94] : memref<10000x128xf32, #tpu.memory_space<hbm>> -> memref<10000x128xf32, #tpu.memory_space<hbm>>
      tpu.wait_indirect_dma semaphore(%arg11 : memref<!tpu.dma_semaphore, #tpu.memory_space<semaphore_mem>>) src(%dma_wait3A_95 : memref<10000x128xf32, #tpu.memory_space<hbm>>) dst(%arg8 : memref<128x128xf32, #tpu.memory_space<vmem>>)
      "tpu.region"() ({
        %run_scoped3A = tpu.sem_alloc : memref<!tpu.dma_semaphore, #tpu.memory_space<semaphore_mem>>
        %dma_start3A_117 = arith.constant 0 : i32
        %dma_start3A_118 = tpu.memref_slice %arg7[%mul3A_86, %dma_start3A_117] : memref<40x128xi32, #tpu.memory_space<vmem>> -> memref<1x128xi32, #tpu.memory_space<vmem>>
        %dma_start3A_119 = tpu.memref_squeeze %dma_start3A_118 : memref<1x128xi32, #tpu.memory_space<vmem>> -> memref<128xi32, #tpu.memory_space<vmem>>
        %dma_start3A_120 = arith.constant 0 : i32
        %dma_start3A_121 = arith.constant 0 : i32
        %dma_start3A_122 = tpu.memref_slice %arg10[%dma_start3A_120, %dma_start3A_121] : memref<10240x128xf32, #tpu.memory_space<vmem_shared>> -> memref<10240x128xf32, #tpu.memory_space<vmem_shared>>
        tpu.enqueue_indirect_dma source(%arg8 : memref<128x128xf32, #tpu.memory_space<vmem>>) target(%dma_start3A_122 : memref<10240x128xf32, #tpu.memory_space<vmem_shared>>) offsets(%dma_start3A_119 : memref<128xi32, #tpu.memory_space<vmem>>) semaphore(%run_scoped3A : memref<!tpu.dma_semaphore, #tpu.memory_space<semaphore_mem>>) {add = true}
        %dma_wait3A_123 = arith.constant 0 : i32
        %dma_wait3A_124 = tpu.memref_slice %arg7[%mul3A_86, %dma_wait3A_123] : memref<40x128xi32, #tpu.memory_space<vmem>> -> memref<1x128xi32, #tpu.memory_space<vmem>>
        %dma_wait3A_125 = tpu.memref_squeeze %dma_wait3A_124 : memref<1x128xi32, #tpu.memory_space<vmem>> -> memref<128xi32, #tpu.memory_space<vmem>>
        %dma_wait3A_126 = arith.constant 0 : i32
        %dma_wait3A_127 = arith.constant 0 : i32
        %dma_wait3A_128 = tpu.memref_slice %arg10[%dma_wait3A_126, %dma_wait3A_127] : memref<10240x128xf32, #tpu.memory_space<vmem_shared>> -> memref<10240x128xf32, #tpu.memory_space<vmem_shared>>
        tpu.wait_indirect_dma semaphore(%run_scoped3A : memref<!tpu.dma_semaphore, #tpu.memory_space<semaphore_mem>>) src(%arg8 : memref<128x128xf32, #tpu.memory_space<vmem>>) dst(%dma_wait3A_128 : memref<10240x128xf32, #tpu.memory_space<vmem_shared>>)
        tpu.yield
      }) : () -> ()
      %lt3A = arith.constant 19 : i32
      %lt3A_96 = arith.cmpi slt, %add3A_84, %lt3A : i32
      %convert_element_type3A = arith.extui %lt3A_96 : i1 to i32
      %cond3A = arith.constant 0 : i32
      %cond3A_97 = arith.cmpi ne, %convert_element_type3A, %cond3A : i32
      scf.if %cond3A_97 {
        %add3A_117 = arith.constant 2 : i32
        %add3A_118 = arith.addi %mul3A_86, %add3A_117 : i32
        %dma_start3A_119 = arith.constant 0 : i32
        %dma_start3A_120 = tpu.memref_slice %arg6[%add3A_118, %dma_start3A_119] : memref<40x128xi32, #tpu.memory_space<vmem>> -> memref<1x128xi32, #tpu.memory_space<vmem>>
        %dma_start3A_121 = tpu.memref_squeeze %dma_start3A_120 : memref<1x128xi32, #tpu.memory_space<vmem>> -> memref<128xi32, #tpu.memory_space<vmem>>
        %dma_start3A_122 = arith.constant 0 : i32
        %dma_start3A_123 = arith.constant 0 : i32
        %dma_start3A_124 = tpu.memref_slice %arg2[%arg0, %dma_start3A_122, %dma_start3A_123] : memref<2x10000x128xf32, #tpu.memory_space<hbm>> -> memref<1x10000x128xf32, #tpu.memory_space<hbm>>
        %dma_start3A_125 = tpu.memref_squeeze %dma_start3A_124 : memref<1x10000x128xf32, #tpu.memory_space<hbm>> -> memref<10000x128xf32, #tpu.memory_space<hbm>>
        %dma_start3A_126 = arith.constant 0 : i32
        %dma_start3A_127 = arith.constant 0 : i32
        %dma_start3A_128 = tpu.memref_slice %dma_start3A_125[%dma_start3A_126, %dma_start3A_127] : memref<10000x128xf32, #tpu.memory_space<hbm>> -> memref<10000x128xf32, #tpu.memory_space<hbm>>
        tpu.enqueue_indirect_dma source(%dma_start3A_128 : memref<10000x128xf32, #tpu.memory_space<hbm>>) target(%arg8 : memref<128x128xf32, #tpu.memory_space<vmem>>) offsets(%dma_start3A_121 : memref<128xi32, #tpu.memory_space<vmem>>) semaphore(%arg11 : memref<!tpu.dma_semaphore, #tpu.memory_space<semaphore_mem>>)
      } else {
      }
      %add3A_98 = arith.constant 1 : i32
      %add3A_99 = arith.addi %mul3A_86, %add3A_98 : i32
      %dma_wait3A_100 = arith.constant 0 : i32
      %dma_wait3A_101 = tpu.memref_slice %arg6[%add3A_99, %dma_wait3A_100] : memref<40x128xi32, #tpu.memory_space<vmem>> -> memref<1x128xi32, #tpu.memory_space<vmem>>
      %dma_wait3A_102 = tpu.memref_squeeze %dma_wait3A_101 : memref<1x128xi32, #tpu.memory_space<vmem>> -> memref<128xi32, #tpu.memory_space<vmem>>
      %dma_wait3A_103 = arith.constant 0 : i32
      %dma_wait3A_104 = arith.constant 0 : i32
      %dma_wait3A_105 = tpu.memref_slice %arg2[%arg0, %dma_wait3A_103, %dma_wait3A_104] : memref<2x10000x128xf32, #tpu.memory_space<hbm>> -> memref<1x10000x128xf32, #tpu.memory_space<hbm>>
      %dma_wait3A_106 = tpu.memref_squeeze %dma_wait3A_105 : memref<1x10000x128xf32, #tpu.memory_space<hbm>> -> memref<10000x128xf32, #tpu.memory_space<hbm>>
      %dma_wait3A_107 = arith.constant 0 : i32
      %dma_wait3A_108 = arith.constant 0 : i32
      %dma_wait3A_109 = tpu.memref_slice %dma_wait3A_106[%dma_wait3A_107, %dma_wait3A_108] : memref<10000x128xf32, #tpu.memory_space<hbm>> -> memref<10000x128xf32, #tpu.memory_space<hbm>>
      tpu.wait_indirect_dma semaphore(%arg12 : memref<!tpu.dma_semaphore, #tpu.memory_space<semaphore_mem>>) src(%dma_wait3A_109 : memref<10000x128xf32, #tpu.memory_space<hbm>>) dst(%arg9 : memref<128x128xf32, #tpu.memory_space<vmem>>)
      %add3A_110 = arith.constant 1 : i32
      %add3A_111 = arith.addi %mul3A_86, %add3A_110 : i32
      "tpu.region"() ({
        %run_scoped3A = tpu.sem_alloc : memref<!tpu.dma_semaphore, #tpu.memory_space<semaphore_mem>>
        %dma_start3A_117 = arith.constant 0 : i32
        %dma_start3A_118 = tpu.memref_slice %arg7[%add3A_111, %dma_start3A_117] : memref<40x128xi32, #tpu.memory_space<vmem>> -> memref<1x128xi32, #tpu.memory_space<vmem>>
        %dma_start3A_119 = tpu.memref_squeeze %dma_start3A_118 : memref<1x128xi32, #tpu.memory_space<vmem>> -> memref<128xi32, #tpu.memory_space<vmem>>
        %dma_start3A_120 = arith.constant 0 : i32
        %dma_start3A_121 = arith.constant 0 : i32
        %dma_start3A_122 = tpu.memref_slice %arg10[%dma_start3A_120, %dma_start3A_121] : memref<10240x128xf32, #tpu.memory_space<vmem_shared>> -> memref<10240x128xf32, #tpu.memory_space<vmem_shared>>
        tpu.enqueue_indirect_dma source(%arg9 : memref<128x128xf32, #tpu.memory_space<vmem>>) target(%dma_start3A_122 : memref<10240x128xf32, #tpu.memory_space<vmem_shared>>) offsets(%dma_start3A_119 : memref<128xi32, #tpu.memory_space<vmem>>) semaphore(%run_scoped3A : memref<!tpu.dma_semaphore, #tpu.memory_space<semaphore_mem>>) {add = true}
        %dma_wait3A_123 = arith.constant 0 : i32
        %dma_wait3A_124 = tpu.memref_slice %arg7[%add3A_111, %dma_wait3A_123] : memref<40x128xi32, #tpu.memory_space<vmem>> -> memref<1x128xi32, #tpu.memory_space<vmem>>
        %dma_wait3A_125 = tpu.memref_squeeze %dma_wait3A_124 : memref<1x128xi32, #tpu.memory_space<vmem>> -> memref<128xi32, #tpu.memory_space<vmem>>
        %dma_wait3A_126 = arith.constant 0 : i32
        %dma_wait3A_127 = arith.constant 0 : i32
        %dma_wait3A_128 = tpu.memref_slice %arg10[%dma_wait3A_126, %dma_wait3A_127] : memref<10240x128xf32, #tpu.memory_space<vmem_shared>> -> memref<10240x128xf32, #tpu.memory_space<vmem_shared>>
        tpu.wait_indirect_dma semaphore(%run_scoped3A : memref<!tpu.dma_semaphore, #tpu.memory_space<semaphore_mem>>) src(%arg9 : memref<128x128xf32, #tpu.memory_space<vmem>>) dst(%dma_wait3A_128 : memref<10240x128xf32, #tpu.memory_space<vmem_shared>>)
        tpu.yield
      }) : () -> ()
      %lt3A_112 = arith.constant 19 : i32
      %lt3A_113 = arith.cmpi slt, %add3A_84, %lt3A_112 : i32
      %convert_element_type3A_114 = arith.extui %lt3A_113 : i1 to i32
      %cond3A_115 = arith.constant 0 : i32
      %cond3A_116 = arith.cmpi ne, %convert_element_type3A_114, %cond3A_115 : i32
      scf.if %cond3A_116 {
        %add3A_117 = arith.constant 3 : i32
        %add3A_118 = arith.addi %mul3A_86, %add3A_117 : i32
        %dma_start3A_119 = arith.constant 0 : i32
        %dma_start3A_120 = tpu.memref_slice %arg6[%add3A_118, %dma_start3A_119] : memref<40x128xi32, #tpu.memory_space<vmem>> -> memref<1x128xi32, #tpu.memory_space<vmem>>
        %dma_start3A_121 = tpu.memref_squeeze %dma_start3A_120 : memref<1x128xi32, #tpu.memory_space<vmem>> -> memref<128xi32, #tpu.memory_space<vmem>>
        %dma_start3A_122 = arith.constant 0 : i32
        %dma_start3A_123 = arith.constant 0 : i32
        %dma_start3A_124 = tpu.memref_slice %arg2[%arg0, %dma_start3A_122, %dma_start3A_123] : memref<2x10000x128xf32, #tpu.memory_space<hbm>> -> memref<1x10000x128xf32, #tpu.memory_space<hbm>>
        %dma_start3A_125 = tpu.memref_squeeze %dma_start3A_124 : memref<1x10000x128xf32, #tpu.memory_space<hbm>> -> memref<10000x128xf32, #tpu.memory_space<hbm>>
        %dma_start3A_126 = arith.constant 0 : i32
        %dma_start3A_127 = arith.constant 0 : i32
        %dma_start3A_128 = tpu.memref_slice %dma_start3A_125[%dma_start3A_126, %dma_start3A_127] : memref<10000x128xf32, #tpu.memory_space<hbm>> -> memref<10000x128xf32, #tpu.memory_space<hbm>>
        tpu.enqueue_indirect_dma source(%dma_start3A_128 : memref<10000x128xf32, #tpu.memory_space<hbm>>) target(%arg9 : memref<128x128xf32, #tpu.memory_space<vmem>>) offsets(%dma_start3A_121 : memref<128xi32, #tpu.memory_space<vmem>>) semaphore(%arg12 : memref<!tpu.dma_semaphore, #tpu.memory_space<semaphore_mem>>)
      } else {
      }
    }
    %scan3A_47 = arith.constant 20 : i32
    "tpu.region"() ({
      %run_scoped3A = tpu.sem_alloc : memref<!tpu.dma_semaphore, #tpu.memory_space<semaphore_mem>>
      %dma_start3A_80 = arith.constant 40 : i32
      %dma_start3A_81 = arith.constant 0 : i32
      %dma_start3A_82 = tpu.memref_slice %arg3[%arg1, %dma_start3A_80, %dma_start3A_81] : memref<16x80x128xi32, #tpu.memory_space<hbm>> -> memref<1x40x128xi32, #tpu.memory_space<hbm>>
      %dma_start3A_83 = tpu.memref_squeeze %dma_start3A_82 : memref<1x40x128xi32, #tpu.memory_space<hbm>> -> memref<40x128xi32, #tpu.memory_space<hbm>>
      %dma_start3A_84 = arith.constant 40 : i32
      %dma_start3A_85 = arith.constant 0 : i32
      %dma_start3A_86 = tpu.memref_slice %arg3[%arg1, %dma_start3A_84, %dma_start3A_85] : memref<16x80x128xi32, #tpu.memory_space<hbm>> -> memref<1x40x128xi32, #tpu.memory_space<hbm>>
      %dma_start3A_87 = tpu.memref_squeeze %dma_start3A_86 : memref<1x40x128xi32, #tpu.memory_space<hbm>> -> memref<40x128xi32, #tpu.memory_space<hbm>>
      tpu.enqueue_dma source(%dma_start3A_87 : memref<40x128xi32, #tpu.memory_space<hbm>>) target(%arg6 : memref<40x128xi32, #tpu.memory_space<vmem>>) target_semaphore(%run_scoped3A : memref<!tpu.dma_semaphore, #tpu.memory_space<semaphore_mem>>)
      %dma_wait3A = arith.constant 40 : i32
      %dma_wait3A_88 = arith.constant 0 : i32
      %dma_wait3A_89 = tpu.memref_slice %arg3[%arg1, %dma_wait3A, %dma_wait3A_88] : memref<16x80x128xi32, #tpu.memory_space<hbm>> -> memref<1x40x128xi32, #tpu.memory_space<hbm>>
      %dma_wait3A_90 = tpu.memref_squeeze %dma_wait3A_89 : memref<1x40x128xi32, #tpu.memory_space<hbm>> -> memref<40x128xi32, #tpu.memory_space<hbm>>
      %dma_wait3A_91 = arith.constant 40 : i32
      %dma_wait3A_92 = arith.constant 0 : i32
      %dma_wait3A_93 = tpu.memref_slice %arg3[%arg1, %dma_wait3A_91, %dma_wait3A_92] : memref<16x80x128xi32, #tpu.memory_space<hbm>> -> memref<1x40x128xi32, #tpu.memory_space<hbm>>
      %dma_wait3A_94 = tpu.memref_squeeze %dma_wait3A_93 : memref<1x40x128xi32, #tpu.memory_space<hbm>> -> memref<40x128xi32, #tpu.memory_space<hbm>>
      tpu.wait_dma2 semaphore(%run_scoped3A : memref<!tpu.dma_semaphore, #tpu.memory_space<semaphore_mem>>) src(%dma_wait3A_94 : memref<40x128xi32, #tpu.memory_space<hbm>>) dst(%arg6 : memref<40x128xi32, #tpu.memory_space<vmem>>)
      tpu.yield
    }) : () -> ()
    "tpu.region"() ({
      %run_scoped3A = tpu.sem_alloc : memref<!tpu.dma_semaphore, #tpu.memory_space<semaphore_mem>>
      %dma_start3A_80 = arith.constant 40 : i32
      %dma_start3A_81 = arith.constant 0 : i32
      %dma_start3A_82 = tpu.memref_slice %arg4[%arg1, %dma_start3A_80, %dma_start3A_81] : memref<16x80x128xi32, #tpu.memory_space<hbm>> -> memref<1x40x128xi32, #tpu.memory_space<hbm>>
      %dma_start3A_83 = tpu.memref_squeeze %dma_start3A_82 : memref<1x40x128xi32, #tpu.memory_space<hbm>> -> memref<40x128xi32, #tpu.memory_space<hbm>>
      %dma_start3A_84 = arith.constant 40 : i32
      %dma_start3A_85 = arith.constant 0 : i32
      %dma_start3A_86 = tpu.memref_slice %arg4[%arg1, %dma_start3A_84, %dma_start3A_85] : memref<16x80x128xi32, #tpu.memory_space<hbm>> -> memref<1x40x128xi32, #tpu.memory_space<hbm>>
      %dma_start3A_87 = tpu.memref_squeeze %dma_start3A_86 : memref<1x40x128xi32, #tpu.memory_space<hbm>> -> memref<40x128xi32, #tpu.memory_space<hbm>>
      tpu.enqueue_dma source(%dma_start3A_87 : memref<40x128xi32, #tpu.memory_space<hbm>>) target(%arg7 : memref<40x128xi32, #tpu.memory_space<vmem>>) target_semaphore(%run_scoped3A : memref<!tpu.dma_semaphore, #tpu.memory_space<semaphore_mem>>)
      %dma_wait3A = arith.constant 40 : i32
      %dma_wait3A_88 = arith.constant 0 : i32
      %dma_wait3A_89 = tpu.memref_slice %arg4[%arg1, %dma_wait3A, %dma_wait3A_88] : memref<16x80x128xi32, #tpu.memory_space<hbm>> -> memref<1x40x128xi32, #tpu.memory_space<hbm>>
      %dma_wait3A_90 = tpu.memref_squeeze %dma_wait3A_89 : memref<1x40x128xi32, #tpu.memory_space<hbm>> -> memref<40x128xi32, #tpu.memory_space<hbm>>
      %dma_wait3A_91 = arith.constant 40 : i32
      %dma_wait3A_92 = arith.constant 0 : i32
      %dma_wait3A_93 = tpu.memref_slice %arg4[%arg1, %dma_wait3A_91, %dma_wait3A_92] : memref<16x80x128xi32, #tpu.memory_space<hbm>> -> memref<1x40x128xi32, #tpu.memory_space<hbm>>
      %dma_wait3A_94 = tpu.memref_squeeze %dma_wait3A_93 : memref<1x40x128xi32, #tpu.memory_space<hbm>> -> memref<40x128xi32, #tpu.memory_space<hbm>>
      tpu.wait_dma2 semaphore(%run_scoped3A : memref<!tpu.dma_semaphore, #tpu.memory_space<semaphore_mem>>) src(%dma_wait3A_94 : memref<40x128xi32, #tpu.memory_space<hbm>>) dst(%arg7 : memref<40x128xi32, #tpu.memory_space<vmem>>)
      tpu.yield
    }) : () -> ()
    %dma_start3A_48 = arith.constant 0 : i32
    %dma_start3A_49 = arith.constant 0 : i32
    %dma_start3A_50 = tpu.memref_slice %arg6[%dma_start3A_48, %dma_start3A_49] : memref<40x128xi32, #tpu.memory_space<vmem>> -> memref<1x128xi32, #tpu.memory_space<vmem>>
    %dma_start3A_51 = tpu.memref_squeeze %dma_start3A_50 : memref<1x128xi32, #tpu.memory_space<vmem>> -> memref<128xi32, #tpu.memory_space<vmem>>
    %dma_start3A_52 = arith.constant 0 : i32
    %dma_start3A_53 = arith.constant 0 : i32
    %dma_start3A_54 = tpu.memref_slice %arg2[%arg0, %dma_start3A_52, %dma_start3A_53] : memref<2x10000x128xf32, #tpu.memory_space<hbm>> -> memref<1x10000x128xf32, #tpu.memory_space<hbm>>
    %dma_start3A_55 = tpu.memref_squeeze %dma_start3A_54 : memref<1x10000x128xf32, #tpu.memory_space<hbm>> -> memref<10000x128xf32, #tpu.memory_space<hbm>>
    %dma_start3A_56 = arith.constant 0 : i32
    %dma_start3A_57 = arith.constant 0 : i32
    %dma_start3A_58 = tpu.memref_slice %dma_start3A_55[%dma_start3A_56, %dma_start3A_57] : memref<10000x128xf32, #tpu.memory_space<hbm>> -> memref<10000x128xf32, #tpu.memory_space<hbm>>
    tpu.enqueue_indirect_dma source(%dma_start3A_58 : memref<10000x128xf32, #tpu.memory_space<hbm>>) target(%arg8 : memref<128x128xf32, #tpu.memory_space<vmem>>) offsets(%dma_start3A_51 : memref<128xi32, #tpu.memory_space<vmem>>) semaphore(%arg11 : memref<!tpu.dma_semaphore, #tpu.memory_space<semaphore_mem>>)
    %dma_start3A_59 = arith.constant 1 : i32
    %dma_start3A_60 = arith.constant 0 : i32
    %dma_start3A_61 = tpu.memref_slice %arg6[%dma_start3A_59, %dma_start3A_60] : memref<40x128xi32, #tpu.memory_space<vmem>> -> memref<1x128xi32, #tpu.memory_space<vmem>>
    %dma_start3A_62 = tpu.memref_squeeze %dma_start3A_61 : memref<1x128xi32, #tpu.memory_space<vmem>> -> memref<128xi32, #tpu.memory_space<vmem>>
    %dma_start3A_63 = arith.constant 0 : i32
    %dma_start3A_64 = arith.constant 0 : i32
    %dma_start3A_65 = tpu.memref_slice %arg2[%arg0, %dma_start3A_63, %dma_start3A_64] : memref<2x10000x128xf32, #tpu.memory_space<hbm>> -> memref<1x10000x128xf32, #tpu.memory_space<hbm>>
    %dma_start3A_66 = tpu.memref_squeeze %dma_start3A_65 : memref<1x10000x128xf32, #tpu.memory_space<hbm>> -> memref<10000x128xf32, #tpu.memory_space<hbm>>
    %dma_start3A_67 = arith.constant 0 : i32
    %dma_start3A_68 = arith.constant 0 : i32
    %dma_start3A_69 = tpu.memref_slice %dma_start3A_66[%dma_start3A_67, %dma_start3A_68] : memref<10000x128xf32, #tpu.memory_space<hbm>> -> memref<10000x128xf32, #tpu.memory_space<hbm>>
    tpu.enqueue_indirect_dma source(%dma_start3A_69 : memref<10000x128xf32, #tpu.memory_space<hbm>>) target(%arg9 : memref<128x128xf32, #tpu.memory_space<vmem>>) offsets(%dma_start3A_62 : memref<128xi32, #tpu.memory_space<vmem>>) semaphore(%arg12 : memref<!tpu.dma_semaphore, #tpu.memory_space<semaphore_mem>>)
    %scan3A_70 = arith.constant 0 : i32
    %scan3A_71 = arith.constant 20 : i32
    %scan3A_72 = arith.addi %scan3A_70, %scan3A_71 : i32
    %scan3A_73 = arith.constant 1 : i32
    scf.for %scan3A_80 = %scan3A_70 to %scan3A_72 step %scan3A_73  : i32 {
      %mul3A_81 = arith.constant 1 : i32
      %mul3A_82 = arith.muli %scan3A_80, %mul3A_81 : i32
      %add3A_83 = arith.constant 0 : i32
      %add3A_84 = arith.addi %add3A_83, %mul3A_82 : i32
      %mul3A_85 = arith.constant 2 : i32
      %mul3A_86 = arith.muli %mul3A_85, %add3A_84 : i32
      %dma_wait3A = arith.constant 0 : i32
      %dma_wait3A_87 = tpu.memref_slice %arg6[%mul3A_86, %dma_wait3A] : memref<40x128xi32, #tpu.memory_space<vmem>> -> memref<1x128xi32, #tpu.memory_space<vmem>>
      %dma_wait3A_88 = tpu.memref_squeeze %dma_wait3A_87 : memref<1x128xi32, #tpu.memory_space<vmem>> -> memref<128xi32, #tpu.memory_space<vmem>>
      %dma_wait3A_89 = arith.constant 0 : i32
      %dma_wait3A_90 = arith.constant 0 : i32
      %dma_wait3A_91 = tpu.memref_slice %arg2[%arg0, %dma_wait3A_89, %dma_wait3A_90] : memref<2x10000x128xf32, #tpu.memory_space<hbm>> -> memref<1x10000x128xf32, #tpu.memory_space<hbm>>
      %dma_wait3A_92 = tpu.memref_squeeze %dma_wait3A_91 : memref<1x10000x128xf32, #tpu.memory_space<hbm>> -> memref<10000x128xf32, #tpu.memory_space<hbm>>
      %dma_wait3A_93 = arith.constant 0 : i32
      %dma_wait3A_94 = arith.constant 0 : i32
      %dma_wait3A_95 = tpu.memref_slice %dma_wait3A_92[%dma_wait3A_93, %dma_wait3A_94] : memref<10000x128xf32, #tpu.memory_space<hbm>> -> memref<10000x128xf32, #tpu.memory_space<hbm>>
      tpu.wait_indirect_dma semaphore(%arg11 : memref<!tpu.dma_semaphore, #tpu.memory_space<semaphore_mem>>) src(%dma_wait3A_95 : memref<10000x128xf32, #tpu.memory_space<hbm>>) dst(%arg8 : memref<128x128xf32, #tpu.memory_space<vmem>>)
      "tpu.region"() ({
        %run_scoped3A = tpu.sem_alloc : memref<!tpu.dma_semaphore, #tpu.memory_space<semaphore_mem>>
        %dma_start3A_117 = arith.constant 0 : i32
        %dma_start3A_118 = tpu.memref_slice %arg7[%mul3A_86, %dma_start3A_117] : memref<40x128xi32, #tpu.memory_space<vmem>> -> memref<1x128xi32, #tpu.memory_space<vmem>>
        %dma_start3A_119 = tpu.memref_squeeze %dma_start3A_118 : memref<1x128xi32, #tpu.memory_space<vmem>> -> memref<128xi32, #tpu.memory_space<vmem>>
        %dma_start3A_120 = arith.constant 0 : i32
        %dma_start3A_121 = arith.constant 0 : i32
        %dma_start3A_122 = tpu.memref_slice %arg10[%dma_start3A_120, %dma_start3A_121] : memref<10240x128xf32, #tpu.memory_space<vmem_shared>> -> memref<10240x128xf32, #tpu.memory_space<vmem_shared>>
        tpu.enqueue_indirect_dma source(%arg8 : memref<128x128xf32, #tpu.memory_space<vmem>>) target(%dma_start3A_122 : memref<10240x128xf32, #tpu.memory_space<vmem_shared>>) offsets(%dma_start3A_119 : memref<128xi32, #tpu.memory_space<vmem>>) semaphore(%run_scoped3A : memref<!tpu.dma_semaphore, #tpu.memory_space<semaphore_mem>>) {add = true}
        %dma_wait3A_123 = arith.constant 0 : i32
        %dma_wait3A_124 = tpu.memref_slice %arg7[%mul3A_86, %dma_wait3A_123] : memref<40x128xi32, #tpu.memory_space<vmem>> -> memref<1x128xi32, #tpu.memory_space<vmem>>
        %dma_wait3A_125 = tpu.memref_squeeze %dma_wait3A_124 : memref<1x128xi32, #tpu.memory_space<vmem>> -> memref<128xi32, #tpu.memory_space<vmem>>
        %dma_wait3A_126 = arith.constant 0 : i32
        %dma_wait3A_127 = arith.constant 0 : i32
        %dma_wait3A_128 = tpu.memref_slice %arg10[%dma_wait3A_126, %dma_wait3A_127] : memref<10240x128xf32, #tpu.memory_space<vmem_shared>> -> memref<10240x128xf32, #tpu.memory_space<vmem_shared>>
        tpu.wait_indirect_dma semaphore(%run_scoped3A : memref<!tpu.dma_semaphore, #tpu.memory_space<semaphore_mem>>) src(%arg8 : memref<128x128xf32, #tpu.memory_space<vmem>>) dst(%dma_wait3A_128 : memref<10240x128xf32, #tpu.memory_space<vmem_shared>>)
        tpu.yield
      }) : () -> ()
      %lt3A = arith.constant 19 : i32
      %lt3A_96 = arith.cmpi slt, %add3A_84, %lt3A : i32
      %convert_element_type3A = arith.extui %lt3A_96 : i1 to i32
      %cond3A = arith.constant 0 : i32
      %cond3A_97 = arith.cmpi ne, %convert_element_type3A, %cond3A : i32
      scf.if %cond3A_97 {
        %add3A_117 = arith.constant 2 : i32
        %add3A_118 = arith.addi %mul3A_86, %add3A_117 : i32
        %dma_start3A_119 = arith.constant 0 : i32
        %dma_start3A_120 = tpu.memref_slice %arg6[%add3A_118, %dma_start3A_119] : memref<40x128xi32, #tpu.memory_space<vmem>> -> memref<1x128xi32, #tpu.memory_space<vmem>>
        %dma_start3A_121 = tpu.memref_squeeze %dma_start3A_120 : memref<1x128xi32, #tpu.memory_space<vmem>> -> memref<128xi32, #tpu.memory_space<vmem>>
        %dma_start3A_122 = arith.constant 0 : i32
        %dma_start3A_123 = arith.constant 0 : i32
        %dma_start3A_124 = tpu.memref_slice %arg2[%arg0, %dma_start3A_122, %dma_start3A_123] : memref<2x10000x128xf32, #tpu.memory_space<hbm>> -> memref<1x10000x128xf32, #tpu.memory_space<hbm>>
        %dma_start3A_125 = tpu.memref_squeeze %dma_start3A_124 : memref<1x10000x128xf32, #tpu.memory_space<hbm>> -> memref<10000x128xf32, #tpu.memory_space<hbm>>
        %dma_start3A_126 = arith.constant 0 : i32
        %dma_start3A_127 = arith.constant 0 : i32
        %dma_start3A_128 = tpu.memref_slice %dma_start3A_125[%dma_start3A_126, %dma_start3A_127] : memref<10000x128xf32, #tpu.memory_space<hbm>> -> memref<10000x128xf32, #tpu.memory_space<hbm>>
        tpu.enqueue_indirect_dma source(%dma_start3A_128 : memref<10000x128xf32, #tpu.memory_space<hbm>>) target(%arg8 : memref<128x128xf32, #tpu.memory_space<vmem>>) offsets(%dma_start3A_121 : memref<128xi32, #tpu.memory_space<vmem>>) semaphore(%arg11 : memref<!tpu.dma_semaphore, #tpu.memory_space<semaphore_mem>>)
      } else {
      }
      %add3A_98 = arith.constant 1 : i32
      %add3A_99 = arith.addi %mul3A_86, %add3A_98 : i32
      %dma_wait3A_100 = arith.constant 0 : i32
      %dma_wait3A_101 = tpu.memref_slice %arg6[%add3A_99, %dma_wait3A_100] : memref<40x128xi32, #tpu.memory_space<vmem>> -> memref<1x128xi32, #tpu.memory_space<vmem>>
      %dma_wait3A_102 = tpu.memref_squeeze %dma_wait3A_101 : memref<1x128xi32, #tpu.memory_space<vmem>> -> memref<128xi32, #tpu.memory_space<vmem>>
      %dma_wait3A_103 = arith.constant 0 : i32
      %dma_wait3A_104 = arith.constant 0 : i32
      %dma_wait3A_105 = tpu.memref_slice %arg2[%arg0, %dma_wait3A_103, %dma_wait3A_104] : memref<2x10000x128xf32, #tpu.memory_space<hbm>> -> memref<1x10000x128xf32, #tpu.memory_space<hbm>>
      %dma_wait3A_106 = tpu.memref_squeeze %dma_wait3A_105 : memref<1x10000x128xf32, #tpu.memory_space<hbm>> -> memref<10000x128xf32, #tpu.memory_space<hbm>>
      %dma_wait3A_107 = arith.constant 0 : i32
      %dma_wait3A_108 = arith.constant 0 : i32
      %dma_wait3A_109 = tpu.memref_slice %dma_wait3A_106[%dma_wait3A_107, %dma_wait3A_108] : memref<10000x128xf32, #tpu.memory_space<hbm>> -> memref<10000x128xf32, #tpu.memory_space<hbm>>
      tpu.wait_indirect_dma semaphore(%arg12 : memref<!tpu.dma_semaphore, #tpu.memory_space<semaphore_mem>>) src(%dma_wait3A_109 : memref<10000x128xf32, #tpu.memory_space<hbm>>) dst(%arg9 : memref<128x128xf32, #tpu.memory_space<vmem>>)
      %add3A_110 = arith.constant 1 : i32
      %add3A_111 = arith.addi %mul3A_86, %add3A_110 : i32
      "tpu.region"() ({
        %run_scoped3A = tpu.sem_alloc : memref<!tpu.dma_semaphore, #tpu.memory_space<semaphore_mem>>
        %dma_start3A_117 = arith.constant 0 : i32
        %dma_start3A_118 = tpu.memref_slice %arg7[%add3A_111, %dma_start3A_117] : memref<40x128xi32, #tpu.memory_space<vmem>> -> memref<1x128xi32, #tpu.memory_space<vmem>>
        %dma_start3A_119 = tpu.memref_squeeze %dma_start3A_118 : memref<1x128xi32, #tpu.memory_space<vmem>> -> memref<128xi32, #tpu.memory_space<vmem>>
        %dma_start3A_120 = arith.constant 0 : i32
        %dma_start3A_121 = arith.constant 0 : i32
        %dma_start3A_122 = tpu.memref_slice %arg10[%dma_start3A_120, %dma_start3A_121] : memref<10240x128xf32, #tpu.memory_space<vmem_shared>> -> memref<10240x128xf32, #tpu.memory_space<vmem_shared>>
        tpu.enqueue_indirect_dma source(%arg9 : memref<128x128xf32, #tpu.memory_space<vmem>>) target(%dma_start3A_122 : memref<10240x128xf32, #tpu.memory_space<vmem_shared>>) offsets(%dma_start3A_119 : memref<128xi32, #tpu.memory_space<vmem>>) semaphore(%run_scoped3A : memref<!tpu.dma_semaphore, #tpu.memory_space<semaphore_mem>>) {add = true}
        %dma_wait3A_123 = arith.constant 0 : i32
        %dma_wait3A_124 = tpu.memref_slice %arg7[%add3A_111, %dma_wait3A_123] : memref<40x128xi32, #tpu.memory_space<vmem>> -> memref<1x128xi32, #tpu.memory_space<vmem>>
        %dma_wait3A_125 = tpu.memref_squeeze %dma_wait3A_124 : memref<1x128xi32, #tpu.memory_space<vmem>> -> memref<128xi32, #tpu.memory_space<vmem>>
        %dma_wait3A_126 = arith.constant 0 : i32
        %dma_wait3A_127 = arith.constant 0 : i32
        %dma_wait3A_128 = tpu.memref_slice %arg10[%dma_wait3A_126, %dma_wait3A_127] : memref<10240x128xf32, #tpu.memory_space<vmem_shared>> -> memref<10240x128xf32, #tpu.memory_space<vmem_shared>>
        tpu.wait_indirect_dma semaphore(%run_scoped3A : memref<!tpu.dma_semaphore, #tpu.memory_space<semaphore_mem>>) src(%arg9 : memref<128x128xf32, #tpu.memory_space<vmem>>) dst(%dma_wait3A_128 : memref<10240x128xf32, #tpu.memory_space<vmem_shared>>)
        tpu.yield
      }) : () -> ()
      %lt3A_112 = arith.constant 19 : i32
      %lt3A_113 = arith.cmpi slt, %add3A_84, %lt3A_112 : i32
      %convert_element_type3A_114 = arith.extui %lt3A_113 : i1 to i32
      %cond3A_115 = arith.constant 0 : i32
      %cond3A_116 = arith.cmpi ne, %convert_element_type3A_114, %cond3A_115 : i32
      scf.if %cond3A_116 {
        %add3A_117 = arith.constant 3 : i32
        %add3A_118 = arith.addi %mul3A_86, %add3A_117 : i32
        %dma_start3A_119 = arith.constant 0 : i32
        %dma_start3A_120 = tpu.memref_slice %arg6[%add3A_118, %dma_start3A_119] : memref<40x128xi32, #tpu.memory_space<vmem>> -> memref<1x128xi32, #tpu.memory_space<vmem>>
        %dma_start3A_121 = tpu.memref_squeeze %dma_start3A_120 : memref<1x128xi32, #tpu.memory_space<vmem>> -> memref<128xi32, #tpu.memory_space<vmem>>
        %dma_start3A_122 = arith.constant 0 : i32
        %dma_start3A_123 = arith.constant 0 : i32
        %dma_start3A_124 = tpu.memref_slice %arg2[%arg0, %dma_start3A_122, %dma_start3A_123] : memref<2x10000x128xf32, #tpu.memory_space<hbm>> -> memref<1x10000x128xf32, #tpu.memory_space<hbm>>
        %dma_start3A_125 = tpu.memref_squeeze %dma_start3A_124 : memref<1x10000x128xf32, #tpu.memory_space<hbm>> -> memref<10000x128xf32, #tpu.memory_space<hbm>>
        %dma_start3A_126 = arith.constant 0 : i32
        %dma_start3A_127 = arith.constant 0 : i32
        %dma_start3A_128 = tpu.memref_slice %dma_start3A_125[%dma_start3A_126, %dma_start3A_127] : memref<10000x128xf32, #tpu.memory_space<hbm>> -> memref<10000x128xf32, #tpu.memory_space<hbm>>
        tpu.enqueue_indirect_dma source(%dma_start3A_128 : memref<10000x128xf32, #tpu.memory_space<hbm>>) target(%arg9 : memref<128x128xf32, #tpu.memory_space<vmem>>) offsets(%dma_start3A_121 : memref<128xi32, #tpu.memory_space<vmem>>) semaphore(%arg12 : memref<!tpu.dma_semaphore, #tpu.memory_space<semaphore_mem>>)
      } else {
      }
    }
    %scan3A_74 = arith.constant 20 : i32
    %barrier3A_75 = arith.constant 0 : index
    tpu.barrier barrier_id(%barrier3A_75)
    %mul3A_76 = arith.constant 640 : i32
    %mul3A_77 = arith.muli %arg1, %mul3A_76 : i32
    %mul3A_78 = arith.constant 640 : i32
    %mul3A_79 = arith.muli %arg1, %mul3A_78 : i32
    "tpu.region"() ({
      %run_scoped3A = tpu.sem_alloc : memref<!tpu.dma_semaphore, #tpu.memory_space<semaphore_mem>>
      %dma_start3A_80 = arith.constant 0 : i32
      %dma_start3A_81 = tpu.memref_slice %arg5[%arg0, %mul3A_79, %dma_start3A_80] : memref<2x10240x128xf32, #tpu.memory_space<hbm>> -> memref<1x640x128xf32, #tpu.memory_space<hbm>>
      %dma_start3A_82 = tpu.memref_squeeze %dma_start3A_81 : memref<1x640x128xf32, #tpu.memory_space<hbm>> -> memref<640x128xf32, #tpu.memory_space<hbm>>
      %dma_start3A_83 = arith.constant 0 : i32
      %dma_start3A_84 = tpu.memref_slice %arg10[%mul3A_77, %dma_start3A_83] : memref<10240x128xf32, #tpu.memory_space<vmem_shared>> -> memref<640x128xf32, #tpu.memory_space<vmem_shared>>
      tpu.enqueue_dma source(%dma_start3A_84 : memref<640x128xf32, #tpu.memory_space<vmem_shared>>) target(%dma_start3A_82 : memref<640x128xf32, #tpu.memory_space<hbm>>) target_semaphore(%run_scoped3A : memref<!tpu.dma_semaphore, #tpu.memory_space<semaphore_mem>>)
      %dma_wait3A = arith.constant 0 : i32
      %dma_wait3A_85 = tpu.memref_slice %arg5[%arg0, %mul3A_79, %dma_wait3A] : memref<2x10240x128xf32, #tpu.memory_space<hbm>> -> memref<1x640x128xf32, #tpu.memory_space<hbm>>
      %dma_wait3A_86 = tpu.memref_squeeze %dma_wait3A_85 : memref<1x640x128xf32, #tpu.memory_space<hbm>> -> memref<640x128xf32, #tpu.memory_space<hbm>>
      %dma_wait3A_87 = arith.constant 0 : i32
      %dma_wait3A_88 = tpu.memref_slice %arg10[%mul3A_77, %dma_wait3A_87] : memref<10240x128xf32, #tpu.memory_space<vmem_shared>> -> memref<640x128xf32, #tpu.memory_space<vmem_shared>>
      tpu.wait_dma2 semaphore(%run_scoped3A : memref<!tpu.dma_semaphore, #tpu.memory_space<semaphore_mem>>) src(%dma_wait3A_88 : memref<640x128xf32, #tpu.memory_space<vmem_shared>>) dst(%dma_wait3A_86 : memref<640x128xf32, #tpu.memory_space<hbm>>)
      tpu.yield
    }) : () -> ()
    return
  }
}

module attributes {stable_mosaic.version = 14 : i64} {
  func.func @_mm_body(%arg0: i32, %arg1: memref<1000x256xf32, #tpu.memory_space<vmem>>, %arg2: memref<256x256xf32, #tpu.memory_space<vmem>>, %arg3: memref<1x256xf32, #tpu.memory_space<vmem>>, %arg4: memref<2x1000x128xf32, #tpu.memory_space<vmem>>) attributes {dimension_semantics = [#tpu.dimension_semantics<arbitrary>], iteration_bounds = array<i64: 10>, scalar_prefetch = 0 : i64, scratch_operands = 0 : i64, tpu.core_type = #tpu.core_type<tc>, window_params = [{transform_indices = @transform_0, window_bounds = array<i64: 1000, 256>}, {pipeline_mode = #tpu.pipeline_mode<synchronous>, transform_indices = @transform_1, window_bounds = array<i64: 256, 256>}, {pipeline_mode = #tpu.pipeline_mode<synchronous>, transform_indices = @transform_2, window_bounds = array<i64: 1, 256>}, {transform_indices = @transform_3, window_bounds = array<i64: 2, 1000, 128>}]} {
    %get3A = arith.constant 0 : index
    %get3A_0 = arith.constant 0 : index
    %get3A_1 = vector.load %arg1[%get3A, %get3A_0] : memref<1000x256xf32, #tpu.memory_space<vmem>>, vector<1000x256xf32>
    %get3A_2 = arith.constant 0 : index
    %get3A_3 = arith.constant 0 : index
    %get3A_4 = vector.load %arg2[%get3A_2, %get3A_3] : memref<256x256xf32, #tpu.memory_space<vmem>>, vector<256x256xf32>
    %dot_general3A = arith.constant dense<0.000000e+00> : vector<1000x256xf32>
    %dot_general3A_5 = tpu.matmul %get3A_1, %get3A_4, %dot_general3A {dimension_numbers = #tpu.dot_dimension_numbers<[1], [0], [0], [1], [0, 0, 1, 1], [], []>, transpose_lhs_hint = false} : vector<1000x256xf32>, vector<256x256xf32>, vector<1000x256xf32> -> vector<1000x256xf32>
    %get3A_6 = arith.constant 0 : index
    %get3A_7 = arith.constant 0 : index
    %get3A_8 = vector.load %arg3[%get3A_6, %get3A_7] : memref<1x256xf32, #tpu.memory_space<vmem>>, vector<1x256xf32>
    %add3A = vector.broadcast %get3A_8 : vector<1x256xf32> to vector<1000x256xf32>
    %add3A_9 = arith.addf %dot_general3A_5, %add3A : vector<1000x256xf32>
    %slice3A = vector.extract_strided_slice %add3A_9 {offsets = [0, 0], sizes = [1000, 128], strides = [1, 1]} : vector<1000x256xf32> to vector<1000x128xf32>
    %swap3A = arith.constant 0 : index
    %swap3A_10 = arith.constant 0 : index
    %swap3A_11 = arith.constant 0 : index
    %swap3A_12 = vector.load %arg4[%swap3A, %swap3A_10, %swap3A_11] : memref<2x1000x128xf32, #tpu.memory_space<vmem>>, vector<1x1000x128xf32>
    %swap3A_13 = vector.shape_cast %swap3A_12 : vector<1x1000x128xf32> to vector<1000x128xf32>
    %swap3A_14 = vector.shape_cast %slice3A : vector<1000x128xf32> to vector<1x1000x128xf32>
    tpu.vector_store %arg4[%swap3A, %swap3A_10, %swap3A_11], %swap3A_14 {strides = array<i32>} : memref<2x1000x128xf32, #tpu.memory_space<vmem>>, vector<1x1000x128xf32>,
    %slice3A_15 = vector.extract_strided_slice %add3A_9 {offsets = [0, 128], sizes = [1000, 128], strides = [1, 1]} : vector<1000x256xf32> to vector<1000x128xf32>
    %swap3A_16 = arith.constant 1 : index
    %swap3A_17 = arith.constant 0 : index
    %swap3A_18 = arith.constant 0 : index
    %swap3A_19 = vector.load %arg4[%swap3A_16, %swap3A_17, %swap3A_18] : memref<2x1000x128xf32, #tpu.memory_space<vmem>>, vector<1x1000x128xf32>
    %swap3A_20 = vector.shape_cast %swap3A_19 : vector<1x1000x128xf32> to vector<1000x128xf32>
    %swap3A_21 = vector.shape_cast %slice3A_15 : vector<1000x128xf32> to vector<1x1000x128xf32>
    tpu.vector_store %arg4[%swap3A_16, %swap3A_17, %swap3A_18], %swap3A_21 {strides = array<i32>} : memref<2x1000x128xf32, #tpu.memory_space<vmem>>, vector<1x1000x128xf32>,
    return
  }
  func.func @transform_0(%arg0: i32) -> (i32, i32) {
    %c0_i32 = arith.constant 0 : i32
    %c0_i32_0 = arith.constant 0 : i32
    return %arg0, %c0_i32 : i32, i32
  }
  func.func @transform_1(%arg0: i32) -> (i32, i32) {
    %c0_i32 = arith.constant 0 : i32
    %c0_i32_0 = arith.constant 0 : i32
    %c0_i32_1 = arith.constant 0 : i32
    return %c0_i32, %c0_i32_0 : i32, i32
  }
  func.func @transform_2(%arg0: i32) -> (i32, i32) {
    %c0_i32 = arith.constant 0 : i32
    %c0_i32_0 = arith.constant 0 : i32
    %c0_i32_1 = arith.constant 0 : i32
    return %c0_i32, %c0_i32_0 : i32, i32
  }
  func.func @transform_3(%arg0: i32) -> (i32, i32, i32) {
    %c0_i32 = arith.constant 0 : i32
    %c0_i32_0 = arith.constant 0 : i32
    %c0_i32_1 = arith.constant 0 : i32
    return %c0_i32, %arg0, %c0_i32_0 : i32, i32, i32
  }
}

</mosaic_0001>

<sc_bundles>
// kernel: kernel.4.cloned.1.call-start
scs
__scs_entry_jumppad:
0x0: {  	(pc) =	sbr.rel $0x88, $3  }
0x1: {  	(tag) =	ssettag $0x0;
	lr =	simm.s32 $0x1  }
0x2: {  	[smem:$0x3F9D] =	sst lr;
	_ =	strace $0xD0000000  }
0x3: {  	_ = 	snop  }
0x4: {  	_ = 	snop  }
0x5: {  	_ = 	snop  }
0x6: {  	_ = 	snop  }
0x7: {  	_ = 	snop  }
__scs_overlays_trampoline_lowered:
0x8: {  	[smem:$0x3FAC] =	sst s0  }
0x9: {  	[smem:$0x3FAD] =	sst s1  }
0xa: {  	[smem:$0x3FAE] =	sst s2  }
0xb: {  	[smem:$0x3FAF] =	sst s3  }
0xc: {  	[smem:$0x3FB0] =	sst s4  }
0xd: {  	[smem:$0x3FB1] =	sst s5  }
0xe: {  	[smem:$0x3FB2] =	sst s6  }
0xf: {  	[smem:$0x3FB3] =	sst s7  }
0x10: {  	[smem:$0x3FB4] =	sst s8  }
0x11: {  	[smem:$0x3FB5] =	sst s9;
	s0 =	simm.s32 @!p0 $0x0  }
0x12: {  	s1 =	sld [smem:$0x3F9B];
	s0 =	simm.s32 @p0 $0x1  }
0x13: {  	[smem:$0x3FB6] =	sst s0;
	s0 =	simm.s32 @!p1 $0x0  }
0x14: {  	s2 =	sld [smem:$0x3F9A];
	s0 =	simm.s32 @p1 $0x1  }
0x15: {  	[smem:$0x3FB7] =	sst s0;
	s0 =	simm.s32 @!p2 $0x0  }
0x16: {  	s3 =	sld [smem:$0x3FDB];
	s0 =	simm.s32 @p2 $0x1  }
0x17: {  	s4 =	simm.s32 $0x1BF5;
	[smem:$0x3FB9] =	sst s0  }
0x18: {  	s0 =	sld [smem:$0x3F9C];
	_ =	swait.ge [sflag:s4], $0x0  }
0x19: {  	s7 =	sld [smem:$0x3F9D]  }
0x1a: {  	s8 =	sadd.s32 $0xFFFFE003, lr  }
0x1b: {  	s9 =	sadd.s32 $0xFFFFFEF7, lr;
	s5 =	simm.s32 $0xFFFFFFFF;
	p2 =	slt.u32 s8, $0xFFFFF086  }
0x1c: {  	p1 =	slt.u32 s9, $0xF7A;
	s5 =	simm.s32 @!p2 $0x0  }
0x1d: {  	s5 =	simm.s32 @p1 $0x1;
	p0 =	seq.s32 s7, s2  }
0x1e: {  	s7 =	smul.u32 @!p0 $0xF7A, s2;
	p2 =	seq.s32 @!p0 s5, $0x0  }
0x1f: {  	s9 =	smul.u32 $0xF7A, s1;
	s8 =	simm.s32 @!p0 $0x1BF5;
	p2 =	por !p2, p0  }
0x20: {  	[sflag:s8] =	ssyncset.s32 @!p0 $0xFFFFF086;
	s6 =	sadd.s32 @!p0 s3, s7;
	s7 =	simm.s32 @!p0 $0x108  }
0x21: {  	s3 =	sadd.s32 s3, s9;
	s6 =	sadd.s32 @!p0 $0x88, s6;
	s7 =	simm.s32 @p2 $0x1082  }
0x22: {  	[simem:s7], [sflag:s8] =	dma.local @!p0 [hbm:s6], $0xF7A  }
0x23: {  	s9 =	sor.u32 $0xD0000000, s2;
	s6 =	simm.s32 $0x108;
	_ =	swait.ge @!p0 [sflag:s8], $0x0  }
0x24: {  	s3 =	sadd.s32 $0x88, s3;
	s6 =	simm.s32 @!p1 $0x1082;
	[sflag:s4] =	ssyncset.s32 $0xFFFFF086  }
0x25: {  	[simem:s6], [sflag:s4] =	dma.local [hbm:s3], $0xF7A  }
0x26: {  	[smem:$0x3F9D] =	sst s1;
	(tag) =	ssettag s2;
	_ =	strace s9  }
0x27: {  	s1 =	sld [smem:$0x3FAD]  }
0x28: {  	s2 =	sld [smem:$0x3FAE]  }
0x29: {  	s4 =	sld [smem:$0x3FB0]  }
0x2a: {  	p0 =	seq.s32 s5, $0x0;
	s5 =	sld [smem:$0x3FB1]  }
0x2b: {  	s6 =	sld [smem:$0x3FB2]  }
0x2c: {  	s7 =	sld [smem:$0x3FB3]  }
0x2d: {  	s3 =	simm.s32 $0x108;
	s8 =	sld [smem:$0x3FB4]  }
0x2e: {  	s3 =	simm.s32 @!p0 $0x1082;
	s9 =	sld [smem:$0x3FB5]  }
0x2f: {  	lr =	sadd.s32 s0, s3;
	s0 =	sld [smem:$0x3FAC]  }
0x30: {  	s3 =	sld [smem:$0x3FAF]  }
0x31: {  	[smem:$0x3FB8] =	sst s10  }
0x32: {  	s10 =	sld [smem:$0x3FB6];
	_ =	sdelay $0x3  }
0x33: {  	p0 =	seq.s32 s10, $0x1;
	s10 =	sld [smem:$0x3FB8];
	_ =	sdelay $0x3  }
0x34: {  	[smem:$0x3FB8] =	sst s10  }
0x35: {  	s10 =	sld [smem:$0x3FB7];
	_ =	sdelay $0x3  }
0x36: {  	p1 =	seq.s32 s10, $0x1;
	s10 =	sld [smem:$0x3FB8];
	_ =	sdelay $0x3  }
0x37: {  	[smem:$0x3FB8] =	sst s10  }
0x38: {  	s10 =	sld [smem:$0x3FB9]  }
0x39: {  	_ = 	snop;
	(pc) =	sbr.ind lr, $3  }
0x3a: {  	_ = 	snop  }
0x3b: {  	_ = 	snop  }
0x3c: {  	p2 =	seq.s32 s10, $0x1;
	s10 =	sld [smem:$0x3FB8]  }
0x3d: {  	_ =	shalt  }
0x3e: {  	_ =	shalt  }
0x3f: {  	_ =	shalt  }
0x40: {  	_ =	shalt  }
0x41: {  	_ =	shalt  }
0x42: {  	_ =	shalt  }
0x43: {  	_ =	shalt  }
0x44: {  	_ =	shalt  }
0x45: {  	_ =	shalt  }
0x46: {  	_ =	shalt  }
0x47: {  	_ =	shalt  }
0x48: {  	_ =	shalt  }
0x49: {  	_ =	shalt  }
0x4a: {  	_ =	shalt  }
0x4b: {  	_ =	shalt  }
0x4c: {  	_ =	shalt  }
0x4d: {  	_ =	shalt  }
0x4e: {  	_ =	shalt  }
0x4f: {  	_ =	shalt  }
0x50: {  	_ =	shalt  }
0x51: {  	_ =	shalt  }
0x52: {  	_ =	shalt  }
0x53: {  	_ =	shalt  }
0x54: {  	_ =	shalt  }
0x55: {  	_ =	shalt  }
0x56: {  	_ =	shalt  }
0x57: {  	_ =	shalt  }
0x58: {  	_ =	shalt  }
0x59: {  	_ =	shalt  }
0x5a: {  	_ =	shalt  }
0x5b: {  	_ =	shalt  }
0x5c: {  	_ =	shalt  }
0x5d: {  	_ =	shalt  }
0x5e: {  	_ =	shalt  }
0x5f: {  	_ =	shalt  }
0x60: {  	_ =	shalt  }
0x61: {  	_ =	shalt  }
0x62: {  	_ =	shalt  }
0x63: {  	_ =	shalt  }
0x64: {  	_ =	shalt  }
0x65: {  	_ =	shalt  }
0x66: {  	_ =	shalt  }
0x67: {  	_ =	shalt  }
0x68: {  	_ =	shalt  }
0x69: {  	_ =	shalt  }
0x6a: {  	_ =	shalt  }
0x6b: {  	_ =	shalt  }
0x6c: {  	_ =	shalt  }
0x6d: {  	_ =	shalt  }
0x6e: {  	_ =	shalt  }
0x6f: {  	_ =	shalt  }
0x70: {  	_ =	shalt  }
0x71: {  	_ =	shalt  }
0x72: {  	_ =	shalt  }
0x73: {  	_ =	shalt  }
0x74: {  	_ =	shalt  }
0x75: {  	_ =	shalt  }
0x76: {  	_ =	shalt  }
0x77: {  	_ =	shalt  }
0x78: {  	_ =	shalt  }
0x79: {  	_ =	shalt  }
0x7a: {  	_ =	shalt  }
0x7b: {  	_ =	shalt  }
0x7c: {  	_ =	shalt  }
0x7d: {  	_ =	shalt  }
0x7e: {  	_ =	shalt  }
0x7f: {  	_ =	shalt  }
0x80: {  	_ =	shalt  }
0x81: {  	_ =	shalt  }
0x82: {  	_ =	shalt  }
0x83: {  	_ =	shalt  }
0x84: {  	_ =	shalt  }
0x85: {  	_ =	shalt  }
0x86: {  	_ =	shalt  }
0x87: {  	_ =	shalt  }
.Lfunc_end0:
.L_simem_size_0:
called_computation_lowered:
.L_overlay_start_0:
0x88: {  	s2 =	sld [smem:$0x3FD9]  }
0x89: {  	s3 =	sld [smem:$0x3FFE];
	_ =	sdelay $0x1  }
0x8a: {  	s1 =	srdreg.scid  }
0x8b: {  	s0 =	sand.u32 $0x1, s1  }
0x8c: {  	s17 =	sshll.u32 s0, $0xA;
	s2 =	sadd.s32 s3, s2  }
0x8d: {  	s2 =	sadd.s32 s2, s17  }
0x8e: {  	[smem:$0x3FC4] =	sst s2  }
0x8f: {  	_ = 	snop  }
0x90: {  	s2 =	sld [smem:$0x3FD0];
	(tm) =	ssettm $0x1  }
0x91: {  	s18 =	sld [smem:$0x3FFB];
	_ =	sdelay $0x3  }
0x92: {  	_ =	strace s18  }
0x93: {  	s3 =	sld [smem:$0x3FFC];
	_ =	sdelay $0x3  }
0x94: {  	_ =	strace s3  }
0x95: {  	s3 =	sld [smem:$0x3FFD];
	_ =	sdelay $0x3  }
0x96: {  	_ =	strace s3  }
0x97: {  	_ =	strace $0x8FFFFFFF  }
0x98: {  	s19 =	sld [smem:$0x3FDB];
	_ =	sdelay $0x1  }
0x99: {  	s4 =	simm.s32 $_scs_section_size  }
0x9a: {  	s5 =	simm.s32 $_size__tile_overlayer_lowered;
	s6 =	simm.s32 $_tile_overlayer_lowered  }
0x9b: {  	s22 =	simm.s32 $0x1BFF;
	s21 =	sshll.u32 s6, $0x1;
	s3 =	sadd.s32 s4, s19  }
0x9c: {  	s7 =	simm.s32 $0x0;
	s20 =	sshll.u32 s5, $0x1;
	s5 =	sadd.s32 s21, s3  }
0x9d: {  	[timem:s7], [sflag:s22] =	dma.local [hbm:s5], s20  }
0x9e: {  	_ =	swait.ge [sflag:s22], s20  }
0x9f: {  	s4 =	ssub.s32 $0x0, s20;
	[sflag:s22] =	ssyncset.done $0x0  }
0xa0: {  	[sflag:s22] =	ssyncadd.s32 s4;
	_ =	sdelay $0x1  }
0xa1: {  	s23 =	simm.s32 $0x1B8B  }
0xa2: {  	_ =	swait.ge [sflag:s23], $0x1  }
0xa3: {  	[sflag:s23] =	ssyncset.done $0x0  }
0xa4: {  	s25 =	simm.s32 $0x1B8E;
	s24 =	sld [smem:$0x3FFE];
	[sflag:s23] =	ssyncadd.s32 $0xFFFFFFFF  }
0xa5: {  	s26 =	simm.s32 $execute0_lowered;
	[smem:$0x3FD2] =	sst s25  }
0xa6: {  	s5 =	sshll.u32 s26, $0x1;
	_ =	strace $0x80000046;
	[dreg:$0x1] =	wrdreg $0xFFFFFFFF  }
0xa7: {  	s28 =	simm.s32 $_size_execute0_lowered;
	s3 =	sadd.s32 s3, s5;
	[dreg:$0x0] =	wrdreg $0x0  }
0xa8: {  	s5 =	sshll.u32 s28, $0x1;
	[dreg:$0x2] =	wrdreg s3  }
0xa9: {  	[dreg:$0x3] =	wrdreg s5  }
0xaa: {  	[dreg:$0x4] =	wrdreg $0xC0  }
0xab: {  	_ =	task [dreg:s7], $0x5FFFF  }
0xac: {  	[dreg:$0x1] =	wrdreg $0xFFFFFFFF  }
0xad: {  	[dreg:$0x0] =	wrdreg $0x60  }
0xae: {  	[dreg:$0x2] =	wrdreg s2  }
0xaf: {  	[dreg:$0x3] =	wrdreg s24  }
0xb0: {  	[dreg:$0x4] =	wrdreg $0xA8000  }
0xb1: {  	[dreg:$0x5] =	wrdreg $0x9  }
0xb2: {  	_ =	task.clear_ibuf [dreg:s7], $0x6FFFF;
	_ =	strace $0x90000046  }
0xb3: {  	s29 =	simm.s32 $0x9;
	_ =	strace $0x80000048  }
0xb4: {  	_ =	swait.ge [sflag:s29], $0x1  }
0xb5: {  	[sflag:s29] =	ssyncadd.s32 $0xFFFFFFFF  }
0xb6: {  	_ =	strace $0x90000048  }
0xb7: {  	_ =	sfence  }
0xb8: {  	s30 =	sld [smem:$0x0];
	_ =	sdelay $0x2  }
0xb9: {  	s31 =	sshll.u32 s1, $0xD;
	s1 =	sshrl.u32 s1, $0x2  }
0xba: {  	s3 =	sand.u32 $0x4000, s31;
	s1 =	sadd.s32 s1, s30  }
0xbb: {  	s0 =	sor.u32 s3, s0;
	s1 =	sshll.u32 s1, $0x11  }
0xbc: {  	s0 =	sor.u32 s1, s0  }
0xbd: {  	s0 =	sadd.s32 $0x8F2B, s0  }
0xbe: {  	[sflag:s0] =	ssyncadd.remote.s32 $0x1  }
0xbf: {  	_ =	sfence.sel $0xFFFF  }
0xc0: {  	[dreg:$0x0] =	wrdreg $0xFFFFFFFF;
	(pc) =	sbr.abs _section_cstart, $3  }
0xc1: {  	[dreg:$0x1] =	wrdreg $0xFFFFFFFF  }
0xc2: {  	_ =	task.clear_ibuf [dreg:s7], $0x2FFFF;
	_ =	strace $0x9FFFFFFF  }
0xc3: {  	(tm) =	ssettm $0x7FFFFFFF  }
tec
execute0_lowered:
.L_overlay_start_1:
0x0: {  	(tag) =	ssettag $0x1  }
0x1: {  	s11 =	rddreg [dreg:$0x0]  }
0x2: {  	s4 =	rddreg [dreg:$0x1]  }
0x3: {  	s1 =	rddreg [dreg:$0x2]  }
0x4: {  	s2 =	srdreg.scid;
	s0 =	rddreg [dreg:$0x3];
	s3 =	simm.s32 $0x0  }
0x5: {  	s18 =	simm.s32 $0x1400;
	s19 =	simm.s32 $0x80;
	s20 =	simm.s32 $0x6800  }
0x6: {  	s21 =	simm.s32 $0x1;
	s22 =	simm.s32 $0x2;
	s9 =	sand.u32 $0x1, s2  }
0x7: {  	s23 =	simm.s32 $0x2700;
	s2 =	stileid.u32;
	s5 =	smul.u32 $0x140000, s9  }
0x8: {  	s24 =	simm.s32 $0x2780;
	s25 =	simm.s32 $0x0;
	s6 =	smul.u32 $0x14000, s2  }
0x9: {  	[smem:$0x7FF] =	sst s3;
	s12 =	sadd.s32 $0x5400, s4;
	s29 =	smul.u32 $0x50000, s2  }
0xa: {  	s13 =	sadd.s32 $0x400, s4;
	s7 =	ssub.s32 $0x2, s9;
	s10 =	smul.u32 $0x2800, s2  }
0xb: {  	_ =	strace $0x80000047;
	s17 =	smul.u32 $0x27100, s9;
	s30 =	sshrl.u32 s7, $0x1  }
0xc: {  	s5 =	sadd.s32 s6, s5;
	s31 =	sshrl.u32 s29, $0x2;
	s15 =	ssub.s32 s7, s30  }
0xd: {  	s16 =	sshrl.u32 s10, $0x3;
	s11 =	sadd.s32 s11, s17;
	s17 =	simm.s32 $0x3  }
0xe: {  	s5 =	sshrl.u32 s5, $0x3;
	s9 =	sadd.s32 s12, s16;
	s10 =	sadd.s32 s13, s16  }
0xf: {  	s16 =	sadd.s32 $0x280, s16;
	s15 =	smax.u32 s15, $0x1;
	s14 =	sadd.s32 s5, s4  }
0x10: {  	s4 =	sadd.s32 s31, s1;
	s12 =	sadd.s32 s12, s16;
	s13 =	sadd.s32 s13, s16  }
0x11: {  	s16 =	simm.s32 $0x2800;
	s5 =	sadd.s32 $0x4000, s4;
	s6 =	sadd.s32 $0x8000, s4  }
0x12: {  	v0 =	vimm.f32 $0.0e+00;
	s7 =	sadd.s32 $0xC000, s4;
	s8 =	sadd.s32 $0x10000, s4;
	s14 =	sadd.s32 $0xA400, s14  }
.LBB2_1:
0x13: {  	[tilespmem:$0x2800] =	vst v0  }
0x14: {  	[tilespmem:$0x2810] =	vst v0  }
0x15: {  	[tilespmem:$0x2820] =	vst v0  }
0x16: {  	[tilespmem:$0x2830] =	vst v0  }
0x17: {  	[tilespmem:$0x2840] =	vst v0  }
0x18: {  	[tilespmem:$0x2850] =	vst v0  }
0x19: {  	[tilespmem:$0x2860] =	vst v0  }
0x1a: {  	[tilespmem:$0x2870] =	vst v0  }
0x1b: {  	[tilespmem:$0x2880] =	vst v0  }
0x1c: {  	[tilespmem:$0x2890] =	vst v0  }
0x1d: {  	[tilespmem:$0x28A0] =	vst v0  }
0x1e: {  	[tilespmem:$0x28B0] =	vst v0  }
0x1f: {  	[tilespmem:$0x28C0] =	vst v0  }
0x20: {  	[tilespmem:$0x28D0] =	vst v0  }
0x21: {  	[tilespmem:$0x28E0] =	vst v0  }
0x22: {  	[tilespmem:$0x28F0] =	vst v0  }
0x23: {  	[tilespmem:$0x2900] =	vst v0  }
0x24: {  	[tilespmem:$0x2910] =	vst v0  }
0x25: {  	[tilespmem:$0x2920] =	vst v0  }
0x26: {  	[tilespmem:$0x2930] =	vst v0  }
0x27: {  	[tilespmem:$0x2940] =	vst v0  }
0x28: {  	[tilespmem:$0x2950] =	vst v0  }
0x29: {  	[tilespmem:$0x2960] =	vst v0  }
0x2a: {  	[tilespmem:$0x2970] =	vst v0  }
0x2b: {  	[tilespmem:$0x2980] =	vst v0  }
0x2c: {  	[tilespmem:$0x2990] =	vst v0  }
0x2d: {  	[tilespmem:$0x29A0] =	vst v0  }
0x2e: {  	[tilespmem:$0x29B0] =	vst v0  }
0x2f: {  	[tilespmem:$0x29C0] =	vst v0  }
0x30: {  	[tilespmem:$0x29D0] =	vst v0  }
0x31: {  	[tilespmem:$0x29E0] =	vst v0  }
0x32: {  	[tilespmem:$0x29F0] =	vst v0  }
0x33: {  	[tilespmem:$0x2A00] =	vst v0  }
0x34: {  	[tilespmem:$0x2A10] =	vst v0  }
0x35: {  	[tilespmem:$0x2A20] =	vst v0  }
0x36: {  	[tilespmem:$0x2A30] =	vst v0  }
0x37: {  	[tilespmem:$0x2A40] =	vst v0  }
0x38: {  	[tilespmem:$0x2A50] =	vst v0  }
0x39: {  	[tilespmem:$0x2A60] =	vst v0  }
0x3a: {  	[tilespmem:$0x2A70] =	vst v0  }
0x3b: {  	[tilespmem:$0x2A80] =	vst v0  }
0x3c: {  	[tilespmem:$0x2A90] =	vst v0  }
0x3d: {  	[tilespmem:$0x2AA0] =	vst v0  }
0x3e: {  	[tilespmem:$0x2AB0] =	vst v0  }
0x3f: {  	[tilespmem:$0x2AC0] =	vst v0  }
0x40: {  	[tilespmem:$0x2AD0] =	vst v0  }
0x41: {  	[tilespmem:$0x2AE0] =	vst v0  }
0x42: {  	[tilespmem:$0x2AF0] =	vst v0  }
0x43: {  	[tilespmem:$0x2B00] =	vst v0  }
0x44: {  	[tilespmem:$0x2B10] =	vst v0  }
0x45: {  	[tilespmem:$0x2B20] =	vst v0  }
0x46: {  	[tilespmem:$0x2B30] =	vst v0  }
0x47: {  	[tilespmem:$0x2B40] =	vst v0  }
0x48: {  	[tilespmem:$0x2B50] =	vst v0  }
0x49: {  	[tilespmem:$0x2B60] =	vst v0  }
0x4a: {  	[tilespmem:$0x2B70] =	vst v0  }
0x4b: {  	[tilespmem:$0x2B80] =	vst v0  }
0x4c: {  	[tilespmem:$0x2B90] =	vst v0  }
0x4d: {  	[tilespmem:$0x2BA0] =	vst v0  }
0x4e: {  	[tilespmem:$0x2BB0] =	vst v0  }
0x4f: {  	[tilespmem:$0x2BC0] =	vst v0  }
0x50: {  	[tilespmem:$0x2BD0] =	vst v0  }
0x51: {  	[tilespmem:$0x2BE0] =	vst v0  }
0x52: {  	[tilespmem:$0x2BF0] =	vst v0  }
0x53: {  	[tilespmem:$0x2C00] =	vst v0  }
0x54: {  	[tilespmem:$0x2C10] =	vst v0  }
0x55: {  	[tilespmem:$0x2C20] =	vst v0  }
0x56: {  	[tilespmem:$0x2C30] =	vst v0  }
0x57: {  	[tilespmem:$0x2C40] =	vst v0  }
0x58: {  	[tilespmem:$0x2C50] =	vst v0  }
0x59: {  	[tilespmem:$0x2C60] =	vst v0  }
0x5a: {  	[tilespmem:$0x2C70] =	vst v0  }
0x5b: {  	[tilespmem:$0x2C80] =	vst v0  }
0x5c: {  	[tilespmem:$0x2C90] =	vst v0  }
0x5d: {  	[tilespmem:$0x2CA0] =	vst v0  }
0x5e: {  	[tilespmem:$0x2CB0] =	vst v0  }
0x5f: {  	[tilespmem:$0x2CC0] =	vst v0  }
0x60: {  	[tilespmem:$0x2CD0] =	vst v0  }
0x61: {  	[tilespmem:$0x2CE0] =	vst v0  }
0x62: {  	[tilespmem:$0x2CF0] =	vst v0  }
0x63: {  	[tilespmem:$0x2D00] =	vst v0  }
0x64: {  	[tilespmem:$0x2D10] =	vst v0  }
0x65: {  	[tilespmem:$0x2D20] =	vst v0  }
0x66: {  	[tilespmem:$0x2D30] =	vst v0  }
0x67: {  	[tilespmem:$0x2D40] =	vst v0  }
0x68: {  	[tilespmem:$0x2D50] =	vst v0  }
0x69: {  	[tilespmem:$0x2D60] =	vst v0  }
0x6a: {  	[tilespmem:$0x2D70] =	vst v0  }
0x6b: {  	[tilespmem:$0x2D80] =	vst v0  }
0x6c: {  	[tilespmem:$0x2D90] =	vst v0  }
0x6d: {  	[tilespmem:$0x2DA0] =	vst v0  }
0x6e: {  	[tilespmem:$0x2DB0] =	vst v0  }
0x6f: {  	[tilespmem:$0x2DC0] =	vst v0  }
0x70: {  	[tilespmem:$0x2DD0] =	vst v0  }
0x71: {  	[tilespmem:$0x2DE0] =	vst v0  }
0x72: {  	[tilespmem:$0x2DF0] =	vst v0  }
0x73: {  	[tilespmem:$0x2E00] =	vst v0  }
0x74: {  	[tilespmem:$0x2E10] =	vst v0  }
0x75: {  	[tilespmem:$0x2E20] =	vst v0  }
0x76: {  	[tilespmem:$0x2E30] =	vst v0  }
0x77: {  	[tilespmem:$0x2E40] =	vst v0  }
0x78: {  	[tilespmem:$0x2E50] =	vst v0  }
0x79: {  	[tilespmem:$0x2E60] =	vst v0  }
0x7a: {  	[tilespmem:$0x2E70] =	vst v0  }
0x7b: {  	[tilespmem:$0x2E80] =	vst v0  }
0x7c: {  	[tilespmem:$0x2E90] =	vst v0  }
0x7d: {  	[tilespmem:$0x2EA0] =	vst v0  }
0x7e: {  	[tilespmem:$0x2EB0] =	vst v0  }
0x7f: {  	[tilespmem:$0x2EC0] =	vst v0  }
0x80: {  	[tilespmem:$0x2ED0] =	vst v0  }
0x81: {  	[tilespmem:$0x2EE0] =	vst v0  }
0x82: {  	[tilespmem:$0x2EF0] =	vst v0  }
0x83: {  	[tilespmem:$0x2F00] =	vst v0  }
0x84: {  	[tilespmem:$0x2F10] =	vst v0  }
0x85: {  	[tilespmem:$0x2F20] =	vst v0  }
0x86: {  	[tilespmem:$0x2F30] =	vst v0  }
0x87: {  	[tilespmem:$0x2F40] =	vst v0  }
0x88: {  	[tilespmem:$0x2F50] =	vst v0  }
0x89: {  	[tilespmem:$0x2F60] =	vst v0  }
0x8a: {  	[tilespmem:$0x2F70] =	vst v0  }
0x8b: {  	[tilespmem:$0x2F80] =	vst v0  }
0x8c: {  	[tilespmem:$0x2F90] =	vst v0  }
0x8d: {  	[tilespmem:$0x2FA0] =	vst v0  }
0x8e: {  	[tilespmem:$0x2FB0] =	vst v0  }
0x8f: {  	[tilespmem:$0x2FC0] =	vst v0  }
0x90: {  	[tilespmem:$0x2FD0] =	vst v0  }
0x91: {  	[tilespmem:$0x2FE0] =	vst v0  }
0x92: {  	[tilespmem:$0x2FF0] =	vst v0  }
0x93: {  	[tilespmem:$0x3000] =	vst v0  }
0x94: {  	[tilespmem:$0x3010] =	vst v0  }
0x95: {  	[tilespmem:$0x3020] =	vst v0  }
0x96: {  	[tilespmem:$0x3030] =	vst v0  }
0x97: {  	[tilespmem:$0x3040] =	vst v0  }
0x98: {  	[tilespmem:$0x3050] =	vst v0  }
0x99: {  	[tilespmem:$0x3060] =	vst v0  }
0x9a: {  	[tilespmem:$0x3070] =	vst v0  }
0x9b: {  	[tilespmem:$0x3080] =	vst v0  }
0x9c: {  	[tilespmem:$0x3090] =	vst v0  }
0x9d: {  	[tilespmem:$0x30A0] =	vst v0  }
0x9e: {  	[tilespmem:$0x30B0] =	vst v0  }
0x9f: {  	[tilespmem:$0x30C0] =	vst v0  }
0xa0: {  	[tilespmem:$0x30D0] =	vst v0  }
0xa1: {  	[tilespmem:$0x30E0] =	vst v0  }
0xa2: {  	[tilespmem:$0x30F0] =	vst v0  }
0xa3: {  	[tilespmem:$0x3100] =	vst v0  }
0xa4: {  	[tilespmem:$0x3110] =	vst v0  }
0xa5: {  	[tilespmem:$0x3120] =	vst v0  }
0xa6: {  	[tilespmem:$0x3130] =	vst v0  }
0xa7: {  	[tilespmem:$0x3140] =	vst v0  }
0xa8: {  	[tilespmem:$0x3150] =	vst v0  }
0xa9: {  	[tilespmem:$0x3160] =	vst v0  }
0xaa: {  	[tilespmem:$0x3170] =	vst v0  }
0xab: {  	[tilespmem:$0x3180] =	vst v0  }
0xac: {  	[tilespmem:$0x3190] =	vst v0  }
0xad: {  	[tilespmem:$0x31A0] =	vst v0  }
0xae: {  	[tilespmem:$0x31B0] =	vst v0  }
0xaf: {  	[tilespmem:$0x31C0] =	vst v0  }
0xb0: {  	[tilespmem:$0x31D0] =	vst v0  }
0xb1: {  	[tilespmem:$0x31E0] =	vst v0  }
0xb2: {  	[tilespmem:$0x31F0] =	vst v0  }
0xb3: {  	[tilespmem:$0x3200] =	vst v0  }
0xb4: {  	[tilespmem:$0x3210] =	vst v0  }
0xb5: {  	[tilespmem:$0x3220] =	vst v0  }
0xb6: {  	[tilespmem:$0x3230] =	vst v0  }
0xb7: {  	[tilespmem:$0x3240] =	vst v0  }
0xb8: {  	[tilespmem:$0x3250] =	vst v0  }
0xb9: {  	[tilespmem:$0x3260] =	vst v0  }
0xba: {  	[tilespmem:$0x3270] =	vst v0  }
0xbb: {  	[tilespmem:$0x3280] =	vst v0  }
0xbc: {  	[tilespmem:$0x3290] =	vst v0  }
0xbd: {  	[tilespmem:$0x32A0] =	vst v0  }
0xbe: {  	[tilespmem:$0x32B0] =	vst v0  }
0xbf: {  	[tilespmem:$0x32C0] =	vst v0  }
0xc0: {  	[tilespmem:$0x32D0] =	vst v0  }
0xc1: {  	[tilespmem:$0x32E0] =	vst v0  }
0xc2: {  	[tilespmem:$0x32F0] =	vst v0  }
0xc3: {  	[tilespmem:$0x3300] =	vst v0  }
0xc4: {  	[tilespmem:$0x3310] =	vst v0  }
0xc5: {  	[tilespmem:$0x3320] =	vst v0  }
0xc6: {  	[tilespmem:$0x3330] =	vst v0  }
0xc7: {  	[tilespmem:$0x3340] =	vst v0  }
0xc8: {  	[tilespmem:$0x3350] =	vst v0  }
0xc9: {  	[tilespmem:$0x3360] =	vst v0  }
0xca: {  	[tilespmem:$0x3370] =	vst v0  }
0xcb: {  	[tilespmem:$0x3380] =	vst v0  }
0xcc: {  	[tilespmem:$0x3390] =	vst v0  }
0xcd: {  	[tilespmem:$0x33A0] =	vst v0  }
0xce: {  	[tilespmem:$0x33B0] =	vst v0  }
0xcf: {  	[tilespmem:$0x33C0] =	vst v0  }
0xd0: {  	[tilespmem:$0x33D0] =	vst v0  }
0xd1: {  	[tilespmem:$0x33E0] =	vst v0  }
0xd2: {  	[tilespmem:$0x33F0] =	vst v0  }
0xd3: {  	[tilespmem:$0x3400] =	vst v0  }
0xd4: {  	[tilespmem:$0x3410] =	vst v0  }
0xd5: {  	[tilespmem:$0x3420] =	vst v0  }
0xd6: {  	[tilespmem:$0x3430] =	vst v0  }
0xd7: {  	[tilespmem:$0x3440] =	vst v0  }
0xd8: {  	[tilespmem:$0x3450] =	vst v0  }
0xd9: {  	[tilespmem:$0x3460] =	vst v0  }
0xda: {  	[tilespmem:$0x3470] =	vst v0  }
0xdb: {  	[tilespmem:$0x3480] =	vst v0  }
0xdc: {  	[tilespmem:$0x3490] =	vst v0  }
0xdd: {  	[tilespmem:$0x34A0] =	vst v0  }
0xde: {  	[tilespmem:$0x34B0] =	vst v0  }
0xdf: {  	[tilespmem:$0x34C0] =	vst v0  }
0xe0: {  	[tilespmem:$0x34D0] =	vst v0  }
0xe1: {  	[tilespmem:$0x34E0] =	vst v0  }
0xe2: {  	[tilespmem:$0x34F0] =	vst v0  }
0xe3: {  	[tilespmem:$0x3500] =	vst v0  }
0xe4: {  	[tilespmem:$0x3510] =	vst v0  }
0xe5: {  	[tilespmem:$0x3520] =	vst v0  }
0xe6: {  	[tilespmem:$0x3530] =	vst v0  }
0xe7: {  	[tilespmem:$0x3540] =	vst v0  }
0xe8: {  	[tilespmem:$0x3550] =	vst v0  }
0xe9: {  	[tilespmem:$0x3560] =	vst v0  }
0xea: {  	[tilespmem:$0x3570] =	vst v0  }
0xeb: {  	[tilespmem:$0x3580] =	vst v0  }
0xec: {  	[tilespmem:$0x3590] =	vst v0  }
0xed: {  	[tilespmem:$0x35A0] =	vst v0  }
0xee: {  	[tilespmem:$0x35B0] =	vst v0  }
0xef: {  	[tilespmem:$0x35C0] =	vst v0  }
0xf0: {  	[tilespmem:$0x35D0] =	vst v0  }
0xf1: {  	[tilespmem:$0x35E0] =	vst v0  }
0xf2: {  	[tilespmem:$0x35F0] =	vst v0  }
0xf3: {  	[tilespmem:$0x3600] =	vst v0  }
0xf4: {  	[tilespmem:$0x3610] =	vst v0  }
0xf5: {  	[tilespmem:$0x3620] =	vst v0  }
0xf6: {  	[tilespmem:$0x3630] =	vst v0  }
0xf7: {  	[tilespmem:$0x3640] =	vst v0  }
0xf8: {  	[tilespmem:$0x3650] =	vst v0  }
0xf9: {  	[tilespmem:$0x3660] =	vst v0  }
0xfa: {  	[tilespmem:$0x3670] =	vst v0  }
0xfb: {  	[tilespmem:$0x3680] =	vst v0  }
0xfc: {  	[tilespmem:$0x3690] =	vst v0  }
0xfd: {  	[tilespmem:$0x36A0] =	vst v0  }
0xfe: {  	[tilespmem:$0x36B0] =	vst v0  }
0xff: {  	[tilespmem:$0x36C0] =	vst v0  }
0x100: {  	[tilespmem:$0x36D0] =	vst v0  }
0x101: {  	[tilespmem:$0x36E0] =	vst v0  }
0x102: {  	[tilespmem:$0x36F0] =	vst v0  }
0x103: {  	[tilespmem:$0x3700] =	vst v0  }
0x104: {  	[tilespmem:$0x3710] =	vst v0  }
0x105: {  	[tilespmem:$0x3720] =	vst v0  }
0x106: {  	[tilespmem:$0x3730] =	vst v0  }
0x107: {  	[tilespmem:$0x3740] =	vst v0  }
0x108: {  	[tilespmem:$0x3750] =	vst v0  }
0x109: {  	[tilespmem:$0x3760] =	vst v0  }
0x10a: {  	[tilespmem:$0x3770] =	vst v0  }
0x10b: {  	[tilespmem:$0x3780] =	vst v0  }
0x10c: {  	[tilespmem:$0x3790] =	vst v0  }
0x10d: {  	[tilespmem:$0x37A0] =	vst v0  }
0x10e: {  	[tilespmem:$0x37B0] =	vst v0  }
0x10f: {  	[tilespmem:$0x37C0] =	vst v0  }
0x110: {  	[tilespmem:$0x37D0] =	vst v0  }
0x111: {  	[tilespmem:$0x37E0] =	vst v0  }
0x112: {  	[tilespmem:$0x37F0] =	vst v0  }
0x113: {  	[tilespmem:$0x3800] =	vst v0  }
0x114: {  	[tilespmem:$0x3810] =	vst v0  }
0x115: {  	[tilespmem:$0x3820] =	vst v0  }
0x116: {  	[tilespmem:$0x3830] =	vst v0  }
0x117: {  	[tilespmem:$0x3840] =	vst v0  }
0x118: {  	[tilespmem:$0x3850] =	vst v0  }
0x119: {  	[tilespmem:$0x3860] =	vst v0  }
0x11a: {  	[tilespmem:$0x3870] =	vst v0  }
0x11b: {  	[tilespmem:$0x3880] =	vst v0  }
0x11c: {  	[tilespmem:$0x3890] =	vst v0  }
0x11d: {  	[tilespmem:$0x38A0] =	vst v0  }
0x11e: {  	[tilespmem:$0x38B0] =	vst v0  }
0x11f: {  	[tilespmem:$0x38C0] =	vst v0  }
0x120: {  	[tilespmem:$0x38D0] =	vst v0  }
0x121: {  	[tilespmem:$0x38E0] =	vst v0  }
0x122: {  	[tilespmem:$0x38F0] =	vst v0  }
0x123: {  	[tilespmem:$0x3900] =	vst v0  }
0x124: {  	[tilespmem:$0x3910] =	vst v0  }
0x125: {  	[tilespmem:$0x3920] =	vst v0  }
0x126: {  	[tilespmem:$0x3930] =	vst v0  }
0x127: {  	[tilespmem:$0x3940] =	vst v0  }
0x128: {  	[tilespmem:$0x3950] =	vst v0  }
0x129: {  	[tilespmem:$0x3960] =	vst v0  }
0x12a: {  	[tilespmem:$0x3970] =	vst v0  }
0x12b: {  	[tilespmem:$0x3980] =	vst v0  }
0x12c: {  	[tilespmem:$0x3990] =	vst v0  }
0x12d: {  	[tilespmem:$0x39A0] =	vst v0  }
0x12e: {  	[tilespmem:$0x39B0] =	vst v0  }
0x12f: {  	[tilespmem:$0x39C0] =	vst v0  }
0x130: {  	[tilespmem:$0x39D0] =	vst v0  }
0x131: {  	[tilespmem:$0x39E0] =	vst v0  }
0x132: {  	[tilespmem:$0x39F0] =	vst v0  }
0x133: {  	[tilespmem:$0x3A00] =	vst v0  }
0x134: {  	[tilespmem:$0x3A10] =	vst v0  }
0x135: {  	[tilespmem:$0x3A20] =	vst v0  }
0x136: {  	[tilespmem:$0x3A30] =	vst v0  }
0x137: {  	[tilespmem:$0x3A40] =	vst v0  }
0x138: {  	[tilespmem:$0x3A50] =	vst v0  }
0x139: {  	[tilespmem:$0x3A60] =	vst v0  }
0x13a: {  	[tilespmem:$0x3A70] =	vst v0  }
0x13b: {  	[tilespmem:$0x3A80] =	vst v0  }
0x13c: {  	[tilespmem:$0x3A90] =	vst v0  }
0x13d: {  	[tilespmem:$0x3AA0] =	vst v0  }
0x13e: {  	[tilespmem:$0x3AB0] =	vst v0  }
0x13f: {  	[tilespmem:$0x3AC0] =	vst v0  }
0x140: {  	[tilespmem:$0x3AD0] =	vst v0  }
0x141: {  	[tilespmem:$0x3AE0] =	vst v0  }
0x142: {  	[tilespmem:$0x3AF0] =	vst v0  }
0x143: {  	[tilespmem:$0x3B00] =	vst v0  }
0x144: {  	[tilespmem:$0x3B10] =	vst v0  }
0x145: {  	[tilespmem:$0x3B20] =	vst v0  }
0x146: {  	[tilespmem:$0x3B30] =	vst v0  }
0x147: {  	[tilespmem:$0x3B40] =	vst v0  }
0x148: {  	[tilespmem:$0x3B50] =	vst v0  }
0x149: {  	[tilespmem:$0x3B60] =	vst v0  }
0x14a: {  	[tilespmem:$0x3B70] =	vst v0  }
0x14b: {  	[tilespmem:$0x3B80] =	vst v0  }
0x14c: {  	[tilespmem:$0x3B90] =	vst v0  }
0x14d: {  	[tilespmem:$0x3BA0] =	vst v0  }
0x14e: {  	[tilespmem:$0x3BB0] =	vst v0  }
0x14f: {  	[tilespmem:$0x3BC0] =	vst v0  }
0x150: {  	[tilespmem:$0x3BD0] =	vst v0  }
0x151: {  	[tilespmem:$0x3BE0] =	vst v0  }
0x152: {  	[tilespmem:$0x3BF0] =	vst v0  }
0x153: {  	[tilespmem:$0x3C00] =	vst v0  }
0x154: {  	[tilespmem:$0x3C10] =	vst v0  }
0x155: {  	[tilespmem:$0x3C20] =	vst v0  }
0x156: {  	[tilespmem:$0x3C30] =	vst v0  }
0x157: {  	[tilespmem:$0x3C40] =	vst v0  }
0x158: {  	[tilespmem:$0x3C50] =	vst v0  }
0x159: {  	[tilespmem:$0x3C60] =	vst v0  }
0x15a: {  	[tilespmem:$0x3C70] =	vst v0  }
0x15b: {  	[tilespmem:$0x3C80] =	vst v0  }
0x15c: {  	[tilespmem:$0x3C90] =	vst v0  }
0x15d: {  	[tilespmem:$0x3CA0] =	vst v0  }
0x15e: {  	[tilespmem:$0x3CB0] =	vst v0  }
0x15f: {  	[tilespmem:$0x3CC0] =	vst v0  }
0x160: {  	[tilespmem:$0x3CD0] =	vst v0  }
0x161: {  	[tilespmem:$0x3CE0] =	vst v0  }
0x162: {  	[tilespmem:$0x3CF0] =	vst v0  }
0x163: {  	[tilespmem:$0x3D00] =	vst v0  }
0x164: {  	[tilespmem:$0x3D10] =	vst v0  }
0x165: {  	[tilespmem:$0x3D20] =	vst v0  }
0x166: {  	[tilespmem:$0x3D30] =	vst v0  }
0x167: {  	[tilespmem:$0x3D40] =	vst v0  }
0x168: {  	[tilespmem:$0x3D50] =	vst v0  }
0x169: {  	[tilespmem:$0x3D60] =	vst v0  }
0x16a: {  	[tilespmem:$0x3D70] =	vst v0  }
0x16b: {  	[tilespmem:$0x3D80] =	vst v0  }
0x16c: {  	[tilespmem:$0x3D90] =	vst v0  }
0x16d: {  	[tilespmem:$0x3DA0] =	vst v0  }
0x16e: {  	[tilespmem:$0x3DB0] =	vst v0  }
0x16f: {  	[tilespmem:$0x3DC0] =	vst v0  }
0x170: {  	[tilespmem:$0x3DD0] =	vst v0  }
0x171: {  	[tilespmem:$0x3DE0] =	vst v0  }
0x172: {  	[tilespmem:$0x3DF0] =	vst v0  }
0x173: {  	[tilespmem:$0x3E00] =	vst v0  }
0x174: {  	[tilespmem:$0x3E10] =	vst v0  }
0x175: {  	[tilespmem:$0x3E20] =	vst v0  }
0x176: {  	[tilespmem:$0x3E30] =	vst v0  }
0x177: {  	[tilespmem:$0x3E40] =	vst v0  }
0x178: {  	[tilespmem:$0x3E50] =	vst v0  }
0x179: {  	[tilespmem:$0x3E60] =	vst v0  }
0x17a: {  	[tilespmem:$0x3E70] =	vst v0  }
0x17b: {  	[tilespmem:$0x3E80] =	vst v0  }
0x17c: {  	[tilespmem:$0x3E90] =	vst v0  }
0x17d: {  	[tilespmem:$0x3EA0] =	vst v0  }
0x17e: {  	[tilespmem:$0x3EB0] =	vst v0  }
0x17f: {  	[tilespmem:$0x3EC0] =	vst v0  }
0x180: {  	[tilespmem:$0x3ED0] =	vst v0  }
0x181: {  	[tilespmem:$0x3EE0] =	vst v0  }
0x182: {  	[tilespmem:$0x3EF0] =	vst v0  }
0x183: {  	[tilespmem:$0x3F00] =	vst v0  }
0x184: {  	[tilespmem:$0x3F10] =	vst v0  }
0x185: {  	[tilespmem:$0x3F20] =	vst v0  }
0x186: {  	[tilespmem:$0x3F30] =	vst v0  }
0x187: {  	[tilespmem:$0x3F40] =	vst v0  }
0x188: {  	[tilespmem:$0x3F50] =	vst v0  }
0x189: {  	[tilespmem:$0x3F60] =	vst v0  }
0x18a: {  	[tilespmem:$0x3F70] =	vst v0  }
0x18b: {  	[tilespmem:$0x3F80] =	vst v0  }
0x18c: {  	[tilespmem:$0x3F90] =	vst v0  }
0x18d: {  	[tilespmem:$0x3FA0] =	vst v0  }
0x18e: {  	[tilespmem:$0x3FB0] =	vst v0  }
0x18f: {  	[tilespmem:$0x3FC0] =	vst v0  }
0x190: {  	[tilespmem:$0x3FD0] =	vst v0  }
0x191: {  	[tilespmem:$0x3FE0] =	vst v0  }
0x192: {  	[tilespmem:$0x3FF0] =	vst v0  }
0x193: {  	[tilespmem:$0x4000] =	vst v0  }
0x194: {  	[tilespmem:$0x4010] =	vst v0  }
0x195: {  	[tilespmem:$0x4020] =	vst v0  }
0x196: {  	[tilespmem:$0x4030] =	vst v0  }
0x197: {  	[tilespmem:$0x4040] =	vst v0  }
0x198: {  	[tilespmem:$0x4050] =	vst v0  }
0x199: {  	[tilespmem:$0x4060] =	vst v0  }
0x19a: {  	[tilespmem:$0x4070] =	vst v0  }
0x19b: {  	[tilespmem:$0x4080] =	vst v0  }
0x19c: {  	[tilespmem:$0x4090] =	vst v0  }
0x19d: {  	[tilespmem:$0x40A0] =	vst v0  }
0x19e: {  	[tilespmem:$0x40B0] =	vst v0  }
0x19f: {  	[tilespmem:$0x40C0] =	vst v0  }
0x1a0: {  	[tilespmem:$0x40D0] =	vst v0  }
0x1a1: {  	[tilespmem:$0x40E0] =	vst v0  }
0x1a2: {  	[tilespmem:$0x40F0] =	vst v0  }
0x1a3: {  	[tilespmem:$0x4100] =	vst v0  }
0x1a4: {  	[tilespmem:$0x4110] =	vst v0  }
0x1a5: {  	[tilespmem:$0x4120] =	vst v0  }
0x1a6: {  	[tilespmem:$0x4130] =	vst v0  }
0x1a7: {  	[tilespmem:$0x4140] =	vst v0  }
0x1a8: {  	[tilespmem:$0x4150] =	vst v0  }
0x1a9: {  	[tilespmem:$0x4160] =	vst v0  }
0x1aa: {  	[tilespmem:$0x4170] =	vst v0  }
0x1ab: {  	[tilespmem:$0x4180] =	vst v0  }
0x1ac: {  	[tilespmem:$0x4190] =	vst v0  }
0x1ad: {  	[tilespmem:$0x41A0] =	vst v0  }
0x1ae: {  	[tilespmem:$0x41B0] =	vst v0  }
0x1af: {  	[tilespmem:$0x41C0] =	vst v0  }
0x1b0: {  	[tilespmem:$0x41D0] =	vst v0  }
0x1b1: {  	[tilespmem:$0x41E0] =	vst v0  }
0x1b2: {  	[tilespmem:$0x41F0] =	vst v0  }
0x1b3: {  	[tilespmem:$0x4200] =	vst v0  }
0x1b4: {  	[tilespmem:$0x4210] =	vst v0  }
0x1b5: {  	[tilespmem:$0x4220] =	vst v0  }
0x1b6: {  	[tilespmem:$0x4230] =	vst v0  }
0x1b7: {  	[tilespmem:$0x4240] =	vst v0  }
0x1b8: {  	[tilespmem:$0x4250] =	vst v0  }
0x1b9: {  	[tilespmem:$0x4260] =	vst v0  }
0x1ba: {  	[tilespmem:$0x4270] =	vst v0  }
0x1bb: {  	[tilespmem:$0x4280] =	vst v0  }
0x1bc: {  	[tilespmem:$0x4290] =	vst v0  }
0x1bd: {  	[tilespmem:$0x42A0] =	vst v0  }
0x1be: {  	[tilespmem:$0x42B0] =	vst v0  }
0x1bf: {  	[tilespmem:$0x42C0] =	vst v0  }
0x1c0: {  	[tilespmem:$0x42D0] =	vst v0  }
0x1c1: {  	[tilespmem:$0x42E0] =	vst v0  }
0x1c2: {  	[tilespmem:$0x42F0] =	vst v0  }
0x1c3: {  	[tilespmem:$0x4300] =	vst v0  }
0x1c4: {  	[tilespmem:$0x4310] =	vst v0  }
0x1c5: {  	[tilespmem:$0x4320] =	vst v0  }
0x1c6: {  	[tilespmem:$0x4330] =	vst v0  }
0x1c7: {  	[tilespmem:$0x4340] =	vst v0  }
0x1c8: {  	[tilespmem:$0x4350] =	vst v0  }
0x1c9: {  	[tilespmem:$0x4360] =	vst v0  }
0x1ca: {  	[tilespmem:$0x4370] =	vst v0  }
0x1cb: {  	[tilespmem:$0x4380] =	vst v0  }
0x1cc: {  	[tilespmem:$0x4390] =	vst v0  }
0x1cd: {  	[tilespmem:$0x43A0] =	vst v0  }
0x1ce: {  	[tilespmem:$0x43B0] =	vst v0  }
0x1cf: {  	[tilespmem:$0x43C0] =	vst v0  }
0x1d0: {  	[tilespmem:$0x43D0] =	vst v0  }
0x1d1: {  	[tilespmem:$0x43E0] =	vst v0  }
0x1d2: {  	[tilespmem:$0x43F0] =	vst v0  }
0x1d3: {  	[tilespmem:$0x4400] =	vst v0  }
0x1d4: {  	[tilespmem:$0x4410] =	vst v0  }
0x1d5: {  	[tilespmem:$0x4420] =	vst v0  }
0x1d6: {  	[tilespmem:$0x4430] =	vst v0  }
0x1d7: {  	[tilespmem:$0x4440] =	vst v0  }
0x1d8: {  	[tilespmem:$0x4450] =	vst v0  }
0x1d9: {  	[tilespmem:$0x4460] =	vst v0  }
0x1da: {  	[tilespmem:$0x4470] =	vst v0  }
0x1db: {  	[tilespmem:$0x4480] =	vst v0  }
0x1dc: {  	[tilespmem:$0x4490] =	vst v0  }
0x1dd: {  	[tilespmem:$0x44A0] =	vst v0  }
0x1de: {  	[tilespmem:$0x44B0] =	vst v0  }
0x1df: {  	[tilespmem:$0x44C0] =	vst v0  }
0x1e0: {  	[tilespmem:$0x44D0] =	vst v0  }
0x1e1: {  	[tilespmem:$0x44E0] =	vst v0  }
0x1e2: {  	[tilespmem:$0x44F0] =	vst v0  }
0x1e3: {  	[tilespmem:$0x4500] =	vst v0  }
0x1e4: {  	[tilespmem:$0x4510] =	vst v0  }
0x1e5: {  	[tilespmem:$0x4520] =	vst v0  }
0x1e6: {  	[tilespmem:$0x4530] =	vst v0  }
0x1e7: {  	[tilespmem:$0x4540] =	vst v0  }
0x1e8: {  	[tilespmem:$0x4550] =	vst v0  }
0x1e9: {  	[tilespmem:$0x4560] =	vst v0  }
0x1ea: {  	[tilespmem:$0x4570] =	vst v0  }
0x1eb: {  	[tilespmem:$0x4580] =	vst v0  }
0x1ec: {  	[tilespmem:$0x4590] =	vst v0  }
0x1ed: {  	[tilespmem:$0x45A0] =	vst v0  }
0x1ee: {  	[tilespmem:$0x45B0] =	vst v0  }
0x1ef: {  	[tilespmem:$0x45C0] =	vst v0  }
0x1f0: {  	[tilespmem:$0x45D0] =	vst v0  }
0x1f1: {  	[tilespmem:$0x45E0] =	vst v0  }
0x1f2: {  	[tilespmem:$0x45F0] =	vst v0  }
0x1f3: {  	[tilespmem:$0x4600] =	vst v0  }
0x1f4: {  	[tilespmem:$0x4610] =	vst v0  }
0x1f5: {  	[tilespmem:$0x4620] =	vst v0  }
0x1f6: {  	[tilespmem:$0x4630] =	vst v0  }
0x1f7: {  	[tilespmem:$0x4640] =	vst v0  }
0x1f8: {  	[tilespmem:$0x4650] =	vst v0  }
0x1f9: {  	[tilespmem:$0x4660] =	vst v0  }
0x1fa: {  	[tilespmem:$0x4670] =	vst v0  }
0x1fb: {  	[tilespmem:$0x4680] =	vst v0  }
0x1fc: {  	[tilespmem:$0x4690] =	vst v0  }
0x1fd: {  	[tilespmem:$0x46A0] =	vst v0  }
0x1fe: {  	[tilespmem:$0x46B0] =	vst v0  }
0x1ff: {  	[tilespmem:$0x46C0] =	vst v0  }
0x200: {  	[tilespmem:$0x46D0] =	vst v0  }
0x201: {  	[tilespmem:$0x46E0] =	vst v0  }
0x202: {  	[tilespmem:$0x46F0] =	vst v0  }
0x203: {  	[tilespmem:$0x4700] =	vst v0  }
0x204: {  	[tilespmem:$0x4710] =	vst v0  }
0x205: {  	[tilespmem:$0x4720] =	vst v0  }
0x206: {  	[tilespmem:$0x4730] =	vst v0  }
0x207: {  	[tilespmem:$0x4740] =	vst v0  }
0x208: {  	[tilespmem:$0x4750] =	vst v0  }
0x209: {  	[tilespmem:$0x4760] =	vst v0  }
0x20a: {  	[tilespmem:$0x4770] =	vst v0  }
0x20b: {  	[tilespmem:$0x4780] =	vst v0  }
0x20c: {  	[tilespmem:$0x4790] =	vst v0  }
0x20d: {  	[tilespmem:$0x47A0] =	vst v0  }
0x20e: {  	[tilespmem:$0x47B0] =	vst v0  }
0x20f: {  	[tilespmem:$0x47C0] =	vst v0  }
0x210: {  	[tilespmem:$0x47D0] =	vst v0  }
0x211: {  	[tilespmem:$0x47E0] =	vst v0  }
0x212: {  	[tilespmem:$0x47F0] =	vst v0  }
0x213: {  	[tilespmem:$0x4800] =	vst v0  }
0x214: {  	[tilespmem:$0x4810] =	vst v0  }
0x215: {  	[tilespmem:$0x4820] =	vst v0  }
0x216: {  	[tilespmem:$0x4830] =	vst v0  }
0x217: {  	[tilespmem:$0x4840] =	vst v0  }
0x218: {  	[tilespmem:$0x4850] =	vst v0  }
0x219: {  	[tilespmem:$0x4860] =	vst v0  }
0x21a: {  	[tilespmem:$0x4870] =	vst v0  }
0x21b: {  	[tilespmem:$0x4880] =	vst v0  }
0x21c: {  	[tilespmem:$0x4890] =	vst v0  }
0x21d: {  	[tilespmem:$0x48A0] =	vst v0  }
0x21e: {  	[tilespmem:$0x48B0] =	vst v0  }
0x21f: {  	[tilespmem:$0x48C0] =	vst v0  }
0x220: {  	[tilespmem:$0x48D0] =	vst v0  }
0x221: {  	[tilespmem:$0x48E0] =	vst v0  }
0x222: {  	[tilespmem:$0x48F0] =	vst v0  }
0x223: {  	[tilespmem:$0x4900] =	vst v0  }
0x224: {  	[tilespmem:$0x4910] =	vst v0  }
0x225: {  	[tilespmem:$0x4920] =	vst v0  }
0x226: {  	[tilespmem:$0x4930] =	vst v0  }
0x227: {  	[tilespmem:$0x4940] =	vst v0  }
0x228: {  	[tilespmem:$0x4950] =	vst v0  }
0x229: {  	[tilespmem:$0x4960] =	vst v0  }
0x22a: {  	[tilespmem:$0x4970] =	vst v0  }
0x22b: {  	[tilespmem:$0x4980] =	vst v0  }
0x22c: {  	[tilespmem:$0x4990] =	vst v0  }
0x22d: {  	[tilespmem:$0x49A0] =	vst v0  }
0x22e: {  	[tilespmem:$0x49B0] =	vst v0  }
0x22f: {  	[tilespmem:$0x49C0] =	vst v0  }
0x230: {  	[tilespmem:$0x49D0] =	vst v0  }
0x231: {  	[tilespmem:$0x49E0] =	vst v0  }
0x232: {  	[tilespmem:$0x49F0] =	vst v0  }
0x233: {  	[tilespmem:$0x4A00] =	vst v0  }
0x234: {  	[tilespmem:$0x4A10] =	vst v0  }
0x235: {  	[tilespmem:$0x4A20] =	vst v0  }
0x236: {  	[tilespmem:$0x4A30] =	vst v0  }
0x237: {  	[tilespmem:$0x4A40] =	vst v0  }
0x238: {  	[tilespmem:$0x4A50] =	vst v0  }
0x239: {  	[tilespmem:$0x4A60] =	vst v0  }
0x23a: {  	[tilespmem:$0x4A70] =	vst v0  }
0x23b: {  	[tilespmem:$0x4A80] =	vst v0  }
0x23c: {  	[tilespmem:$0x4A90] =	vst v0  }
0x23d: {  	[tilespmem:$0x4AA0] =	vst v0  }
0x23e: {  	[tilespmem:$0x4AB0] =	vst v0  }
0x23f: {  	[tilespmem:$0x4AC0] =	vst v0  }
0x240: {  	[tilespmem:$0x4AD0] =	vst v0  }
0x241: {  	[tilespmem:$0x4AE0] =	vst v0  }
0x242: {  	[tilespmem:$0x4AF0] =	vst v0  }
0x243: {  	[tilespmem:$0x4B00] =	vst v0  }
0x244: {  	[tilespmem:$0x4B10] =	vst v0  }
0x245: {  	[tilespmem:$0x4B20] =	vst v0  }
0x246: {  	[tilespmem:$0x4B30] =	vst v0  }
0x247: {  	[tilespmem:$0x4B40] =	vst v0  }
0x248: {  	[tilespmem:$0x4B50] =	vst v0  }
0x249: {  	[tilespmem:$0x4B60] =	vst v0  }
0x24a: {  	[tilespmem:$0x4B70] =	vst v0  }
0x24b: {  	[tilespmem:$0x4B80] =	vst v0  }
0x24c: {  	[tilespmem:$0x4B90] =	vst v0  }
0x24d: {  	[tilespmem:$0x4BA0] =	vst v0  }
0x24e: {  	[tilespmem:$0x4BB0] =	vst v0  }
0x24f: {  	[tilespmem:$0x4BC0] =	vst v0  }
0x250: {  	[tilespmem:$0x4BD0] =	vst v0  }
0x251: {  	[tilespmem:$0x4BE0] =	vst v0  }
0x252: {  	[tilespmem:$0x4BF0] =	vst v0  }
0x253: {  	[tilespmem:$0x4C00] =	vst v0  }
0x254: {  	[tilespmem:$0x4C10] =	vst v0  }
0x255: {  	[tilespmem:$0x4C20] =	vst v0  }
0x256: {  	[tilespmem:$0x4C30] =	vst v0  }
0x257: {  	[tilespmem:$0x4C40] =	vst v0  }
0x258: {  	[tilespmem:$0x4C50] =	vst v0  }
0x259: {  	[tilespmem:$0x4C60] =	vst v0  }
0x25a: {  	[tilespmem:$0x4C70] =	vst v0  }
0x25b: {  	[tilespmem:$0x4C80] =	vst v0  }
0x25c: {  	[tilespmem:$0x4C90] =	vst v0  }
0x25d: {  	[tilespmem:$0x4CA0] =	vst v0  }
0x25e: {  	[tilespmem:$0x4CB0] =	vst v0  }
0x25f: {  	[tilespmem:$0x4CC0] =	vst v0  }
0x260: {  	[tilespmem:$0x4CD0] =	vst v0  }
0x261: {  	[tilespmem:$0x4CE0] =	vst v0  }
0x262: {  	[tilespmem:$0x4CF0] =	vst v0  }
0x263: {  	[tilespmem:$0x4D00] =	vst v0  }
0x264: {  	[tilespmem:$0x4D10] =	vst v0  }
0x265: {  	[tilespmem:$0x4D20] =	vst v0  }
0x266: {  	[tilespmem:$0x4D30] =	vst v0  }
0x267: {  	[tilespmem:$0x4D40] =	vst v0  }
0x268: {  	[tilespmem:$0x4D50] =	vst v0  }
0x269: {  	[tilespmem:$0x4D60] =	vst v0  }
0x26a: {  	[tilespmem:$0x4D70] =	vst v0  }
0x26b: {  	[tilespmem:$0x4D80] =	vst v0  }
0x26c: {  	[tilespmem:$0x4D90] =	vst v0  }
0x26d: {  	[tilespmem:$0x4DA0] =	vst v0  }
0x26e: {  	[tilespmem:$0x4DB0] =	vst v0  }
0x26f: {  	[tilespmem:$0x4DC0] =	vst v0  }
0x270: {  	[tilespmem:$0x4DD0] =	vst v0  }
0x271: {  	[tilespmem:$0x4DE0] =	vst v0  }
0x272: {  	[tilespmem:$0x4DF0] =	vst v0  }
0x273: {  	[tilespmem:$0x4E00] =	vst v0  }
0x274: {  	[tilespmem:$0x4E10] =	vst v0  }
0x275: {  	[tilespmem:$0x4E20] =	vst v0  }
0x276: {  	[tilespmem:$0x4E30] =	vst v0  }
0x277: {  	[tilespmem:$0x4E40] =	vst v0  }
0x278: {  	[tilespmem:$0x4E50] =	vst v0  }
0x279: {  	[tilespmem:$0x4E60] =	vst v0  }
0x27a: {  	[tilespmem:$0x4E70] =	vst v0  }
0x27b: {  	[tilespmem:$0x4E80] =	vst v0  }
0x27c: {  	[tilespmem:$0x4E90] =	vst v0  }
0x27d: {  	[tilespmem:$0x4EA0] =	vst v0  }
0x27e: {  	[tilespmem:$0x4EB0] =	vst v0  }
0x27f: {  	[tilespmem:$0x4EC0] =	vst v0  }
0x280: {  	[tilespmem:$0x4ED0] =	vst v0  }
0x281: {  	[tilespmem:$0x4EE0] =	vst v0  }
0x282: {  	[tilespmem:$0x4EF0] =	vst v0  }
0x283: {  	[tilespmem:$0x4F00] =	vst v0  }
0x284: {  	[tilespmem:$0x4F10] =	vst v0  }
0x285: {  	[tilespmem:$0x4F20] =	vst v0  }
0x286: {  	[tilespmem:$0x4F30] =	vst v0  }
0x287: {  	[tilespmem:$0x4F40] =	vst v0  }
0x288: {  	[tilespmem:$0x4F50] =	vst v0  }
0x289: {  	[tilespmem:$0x4F60] =	vst v0  }
0x28a: {  	[tilespmem:$0x4F70] =	vst v0  }
0x28b: {  	[tilespmem:$0x4F80] =	vst v0  }
0x28c: {  	[tilespmem:$0x4F90] =	vst v0  }
0x28d: {  	[tilespmem:$0x4FA0] =	vst v0  }
0x28e: {  	[tilespmem:$0x4FB0] =	vst v0  }
0x28f: {  	[tilespmem:$0x4FC0] =	vst v0  }
0x290: {  	[tilespmem:$0x4FD0] =	vst v0  }
0x291: {  	[tilespmem:$0x4FE0] =	vst v0  }
0x292: {  	[tilespmem:$0x4FF0] =	vst v0  }
0x293: {  	[tilespmem:$0x5000] =	vst v0  }
0x294: {  	[tilespmem:$0x5010] =	vst v0  }
0x295: {  	[tilespmem:$0x5020] =	vst v0  }
0x296: {  	[tilespmem:$0x5030] =	vst v0  }
0x297: {  	[tilespmem:$0x5040] =	vst v0  }
0x298: {  	[tilespmem:$0x5050] =	vst v0  }
0x299: {  	[tilespmem:$0x5060] =	vst v0  }
0x29a: {  	[tilespmem:$0x5070] =	vst v0  }
0x29b: {  	[tilespmem:$0x5080] =	vst v0  }
0x29c: {  	[tilespmem:$0x5090] =	vst v0  }
0x29d: {  	[tilespmem:$0x50A0] =	vst v0  }
0x29e: {  	[tilespmem:$0x50B0] =	vst v0  }
0x29f: {  	[tilespmem:$0x50C0] =	vst v0  }
0x2a0: {  	[tilespmem:$0x50D0] =	vst v0  }
0x2a1: {  	[tilespmem:$0x50E0] =	vst v0  }
0x2a2: {  	[tilespmem:$0x50F0] =	vst v0  }
0x2a3: {  	[tilespmem:$0x5100] =	vst v0  }
0x2a4: {  	[tilespmem:$0x5110] =	vst v0  }
0x2a5: {  	[tilespmem:$0x5120] =	vst v0  }
0x2a6: {  	[tilespmem:$0x5130] =	vst v0  }
0x2a7: {  	[tilespmem:$0x5140] =	vst v0  }
0x2a8: {  	[tilespmem:$0x5150] =	vst v0  }
0x2a9: {  	[tilespmem:$0x5160] =	vst v0  }
0x2aa: {  	[tilespmem:$0x5170] =	vst v0  }
0x2ab: {  	[tilespmem:$0x5180] =	vst v0  }
0x2ac: {  	[tilespmem:$0x5190] =	vst v0  }
0x2ad: {  	[tilespmem:$0x51A0] =	vst v0  }
0x2ae: {  	[tilespmem:$0x51B0] =	vst v0  }
0x2af: {  	[tilespmem:$0x51C0] =	vst v0  }
0x2b0: {  	[tilespmem:$0x51D0] =	vst v0  }
0x2b1: {  	[tilespmem:$0x51E0] =	vst v0  }
0x2b2: {  	[tilespmem:$0x51F0] =	vst v0  }
0x2b3: {  	[tilespmem:$0x5200] =	vst v0  }
0x2b4: {  	[tilespmem:$0x5210] =	vst v0  }
0x2b5: {  	[tilespmem:$0x5220] =	vst v0  }
0x2b6: {  	[tilespmem:$0x5230] =	vst v0  }
0x2b7: {  	[tilespmem:$0x5240] =	vst v0  }
0x2b8: {  	[tilespmem:$0x5250] =	vst v0  }
0x2b9: {  	[tilespmem:$0x5260] =	vst v0  }
0x2ba: {  	[tilespmem:$0x5270] =	vst v0  }
0x2bb: {  	[tilespmem:$0x5280] =	vst v0  }
0x2bc: {  	[tilespmem:$0x5290] =	vst v0  }
0x2bd: {  	[tilespmem:$0x52A0] =	vst v0  }
0x2be: {  	[tilespmem:$0x52B0] =	vst v0  }
0x2bf: {  	[tilespmem:$0x52C0] =	vst v0  }
0x2c0: {  	[tilespmem:$0x52D0] =	vst v0  }
0x2c1: {  	[tilespmem:$0x52E0] =	vst v0  }
0x2c2: {  	[tilespmem:$0x52F0] =	vst v0  }
0x2c3: {  	[tilespmem:$0x5300] =	vst v0  }
0x2c4: {  	[tilespmem:$0x5310] =	vst v0  }
0x2c5: {  	[tilespmem:$0x5320] =	vst v0  }
0x2c6: {  	[tilespmem:$0x5330] =	vst v0  }
0x2c7: {  	[tilespmem:$0x5340] =	vst v0  }
0x2c8: {  	[tilespmem:$0x5350] =	vst v0  }
0x2c9: {  	[tilespmem:$0x5360] =	vst v0  }
0x2ca: {  	[tilespmem:$0x5370] =	vst v0  }
0x2cb: {  	[tilespmem:$0x5380] =	vst v0  }
0x2cc: {  	[tilespmem:$0x5390] =	vst v0  }
0x2cd: {  	[tilespmem:$0x53A0] =	vst v0  }
0x2ce: {  	[tilespmem:$0x53B0] =	vst v0  }
0x2cf: {  	[tilespmem:$0x53C0] =	vst v0  }
0x2d0: {  	[tilespmem:$0x53D0] =	vst v0  }
0x2d1: {  	[tilespmem:$0x53E0] =	vst v0  }
0x2d2: {  	[tilespmem:$0x53F0] =	vst v0  }
0x2d3: {  	[tilespmem:$0x5400] =	vst v0  }
0x2d4: {  	[tilespmem:$0x5410] =	vst v0  }
0x2d5: {  	[tilespmem:$0x5420] =	vst v0  }
0x2d6: {  	[tilespmem:$0x5430] =	vst v0  }
0x2d7: {  	[tilespmem:$0x5440] =	vst v0  }
0x2d8: {  	[tilespmem:$0x5450] =	vst v0  }
0x2d9: {  	[tilespmem:$0x5460] =	vst v0  }
0x2da: {  	[tilespmem:$0x5470] =	vst v0  }
0x2db: {  	[tilespmem:$0x5480] =	vst v0  }
0x2dc: {  	[tilespmem:$0x5490] =	vst v0  }
0x2dd: {  	[tilespmem:$0x54A0] =	vst v0  }
0x2de: {  	[tilespmem:$0x54B0] =	vst v0  }
0x2df: {  	[tilespmem:$0x54C0] =	vst v0  }
0x2e0: {  	[tilespmem:$0x54D0] =	vst v0  }
0x2e1: {  	[tilespmem:$0x54E0] =	vst v0  }
0x2e2: {  	[tilespmem:$0x54F0] =	vst v0  }
0x2e3: {  	[tilespmem:$0x5500] =	vst v0  }
0x2e4: {  	[tilespmem:$0x5510] =	vst v0  }
0x2e5: {  	[tilespmem:$0x5520] =	vst v0  }
0x2e6: {  	[tilespmem:$0x5530] =	vst v0  }
0x2e7: {  	[tilespmem:$0x5540] =	vst v0  }
0x2e8: {  	[tilespmem:$0x5550] =	vst v0  }
0x2e9: {  	[tilespmem:$0x5560] =	vst v0  }
0x2ea: {  	[tilespmem:$0x5570] =	vst v0  }
0x2eb: {  	[tilespmem:$0x5580] =	vst v0  }
0x2ec: {  	[tilespmem:$0x5590] =	vst v0  }
0x2ed: {  	[tilespmem:$0x55A0] =	vst v0  }
0x2ee: {  	[tilespmem:$0x55B0] =	vst v0  }
0x2ef: {  	[tilespmem:$0x55C0] =	vst v0  }
0x2f0: {  	[tilespmem:$0x55D0] =	vst v0  }
0x2f1: {  	[tilespmem:$0x55E0] =	vst v0  }
0x2f2: {  	[tilespmem:$0x55F0] =	vst v0  }
0x2f3: {  	[tilespmem:$0x5600] =	vst v0  }
0x2f4: {  	[tilespmem:$0x5610] =	vst v0  }
0x2f5: {  	[tilespmem:$0x5620] =	vst v0  }
0x2f6: {  	[tilespmem:$0x5630] =	vst v0  }
0x2f7: {  	[tilespmem:$0x5640] =	vst v0  }
0x2f8: {  	[tilespmem:$0x5650] =	vst v0  }
0x2f9: {  	[tilespmem:$0x5660] =	vst v0  }
0x2fa: {  	[tilespmem:$0x5670] =	vst v0  }
0x2fb: {  	[tilespmem:$0x5680] =	vst v0  }
0x2fc: {  	[tilespmem:$0x5690] =	vst v0  }
0x2fd: {  	[tilespmem:$0x56A0] =	vst v0  }
0x2fe: {  	[tilespmem:$0x56B0] =	vst v0  }
0x2ff: {  	[tilespmem:$0x56C0] =	vst v0  }
0x300: {  	[tilespmem:$0x56D0] =	vst v0  }
0x301: {  	[tilespmem:$0x56E0] =	vst v0  }
0x302: {  	[tilespmem:$0x56F0] =	vst v0  }
0x303: {  	[tilespmem:$0x5700] =	vst v0  }
0x304: {  	[tilespmem:$0x5710] =	vst v0  }
0x305: {  	[tilespmem:$0x5720] =	vst v0  }
0x306: {  	[tilespmem:$0x5730] =	vst v0  }
0x307: {  	[tilespmem:$0x5740] =	vst v0  }
0x308: {  	[tilespmem:$0x5750] =	vst v0  }
0x309: {  	[tilespmem:$0x5760] =	vst v0  }
0x30a: {  	[tilespmem:$0x5770] =	vst v0  }
0x30b: {  	[tilespmem:$0x5780] =	vst v0  }
0x30c: {  	[tilespmem:$0x5790] =	vst v0  }
0x30d: {  	[tilespmem:$0x57A0] =	vst v0  }
0x30e: {  	[tilespmem:$0x57B0] =	vst v0  }
0x30f: {  	[tilespmem:$0x57C0] =	vst v0  }
0x310: {  	[tilespmem:$0x57D0] =	vst v0  }
0x311: {  	[tilespmem:$0x57E0] =	vst v0  }
0x312: {  	[tilespmem:$0x57F0] =	vst v0  }
0x313: {  	[tilespmem:$0x5800] =	vst v0  }
0x314: {  	[tilespmem:$0x5810] =	vst v0  }
0x315: {  	[tilespmem:$0x5820] =	vst v0  }
0x316: {  	[tilespmem:$0x5830] =	vst v0  }
0x317: {  	[tilespmem:$0x5840] =	vst v0  }
0x318: {  	[tilespmem:$0x5850] =	vst v0  }
0x319: {  	[tilespmem:$0x5860] =	vst v0  }
0x31a: {  	[tilespmem:$0x5870] =	vst v0  }
0x31b: {  	[tilespmem:$0x5880] =	vst v0  }
0x31c: {  	[tilespmem:$0x5890] =	vst v0  }
0x31d: {  	[tilespmem:$0x58A0] =	vst v0  }
0x31e: {  	[tilespmem:$0x58B0] =	vst v0  }
0x31f: {  	[tilespmem:$0x58C0] =	vst v0  }
0x320: {  	[tilespmem:$0x58D0] =	vst v0  }
0x321: {  	[tilespmem:$0x58E0] =	vst v0  }
0x322: {  	[tilespmem:$0x58F0] =	vst v0  }
0x323: {  	[tilespmem:$0x5900] =	vst v0  }
0x324: {  	[tilespmem:$0x5910] =	vst v0  }
0x325: {  	[tilespmem:$0x5920] =	vst v0  }
0x326: {  	[tilespmem:$0x5930] =	vst v0  }
0x327: {  	[tilespmem:$0x5940] =	vst v0  }
0x328: {  	[tilespmem:$0x5950] =	vst v0  }
0x329: {  	[tilespmem:$0x5960] =	vst v0  }
0x32a: {  	[tilespmem:$0x5970] =	vst v0  }
0x32b: {  	[tilespmem:$0x5980] =	vst v0  }
0x32c: {  	[tilespmem:$0x5990] =	vst v0  }
0x32d: {  	[tilespmem:$0x59A0] =	vst v0  }
0x32e: {  	[tilespmem:$0x59B0] =	vst v0  }
0x32f: {  	[tilespmem:$0x59C0] =	vst v0  }
0x330: {  	[tilespmem:$0x59D0] =	vst v0  }
0x331: {  	[tilespmem:$0x59E0] =	vst v0  }
0x332: {  	[tilespmem:$0x59F0] =	vst v0  }
0x333: {  	[tilespmem:$0x5A00] =	vst v0  }
0x334: {  	[tilespmem:$0x5A10] =	vst v0  }
0x335: {  	[tilespmem:$0x5A20] =	vst v0  }
0x336: {  	[tilespmem:$0x5A30] =	vst v0  }
0x337: {  	[tilespmem:$0x5A40] =	vst v0  }
0x338: {  	[tilespmem:$0x5A50] =	vst v0  }
0x339: {  	[tilespmem:$0x5A60] =	vst v0  }
0x33a: {  	[tilespmem:$0x5A70] =	vst v0  }
0x33b: {  	[tilespmem:$0x5A80] =	vst v0  }
0x33c: {  	[tilespmem:$0x5A90] =	vst v0  }
0x33d: {  	[tilespmem:$0x5AA0] =	vst v0  }
0x33e: {  	[tilespmem:$0x5AB0] =	vst v0  }
0x33f: {  	[tilespmem:$0x5AC0] =	vst v0  }
0x340: {  	[tilespmem:$0x5AD0] =	vst v0  }
0x341: {  	[tilespmem:$0x5AE0] =	vst v0  }
0x342: {  	[tilespmem:$0x5AF0] =	vst v0  }
0x343: {  	[tilespmem:$0x5B00] =	vst v0  }
0x344: {  	[tilespmem:$0x5B10] =	vst v0  }
0x345: {  	[tilespmem:$0x5B20] =	vst v0  }
0x346: {  	[tilespmem:$0x5B30] =	vst v0  }
0x347: {  	[tilespmem:$0x5B40] =	vst v0  }
0x348: {  	[tilespmem:$0x5B50] =	vst v0  }
0x349: {  	[tilespmem:$0x5B60] =	vst v0  }
0x34a: {  	[tilespmem:$0x5B70] =	vst v0  }
0x34b: {  	[tilespmem:$0x5B80] =	vst v0  }
0x34c: {  	[tilespmem:$0x5B90] =	vst v0  }
0x34d: {  	[tilespmem:$0x5BA0] =	vst v0  }
0x34e: {  	[tilespmem:$0x5BB0] =	vst v0  }
0x34f: {  	[tilespmem:$0x5BC0] =	vst v0  }
0x350: {  	[tilespmem:$0x5BD0] =	vst v0  }
0x351: {  	[tilespmem:$0x5BE0] =	vst v0  }
0x352: {  	[tilespmem:$0x5BF0] =	vst v0  }
0x353: {  	[tilespmem:$0x5C00] =	vst v0  }
0x354: {  	[tilespmem:$0x5C10] =	vst v0  }
0x355: {  	[tilespmem:$0x5C20] =	vst v0  }
0x356: {  	[tilespmem:$0x5C30] =	vst v0  }
0x357: {  	[tilespmem:$0x5C40] =	vst v0  }
0x358: {  	[tilespmem:$0x5C50] =	vst v0  }
0x359: {  	[tilespmem:$0x5C60] =	vst v0  }
0x35a: {  	[tilespmem:$0x5C70] =	vst v0  }
0x35b: {  	[tilespmem:$0x5C80] =	vst v0  }
0x35c: {  	[tilespmem:$0x5C90] =	vst v0  }
0x35d: {  	[tilespmem:$0x5CA0] =	vst v0  }
0x35e: {  	[tilespmem:$0x5CB0] =	vst v0  }
0x35f: {  	[tilespmem:$0x5CC0] =	vst v0  }
0x360: {  	[tilespmem:$0x5CD0] =	vst v0  }
0x361: {  	[tilespmem:$0x5CE0] =	vst v0  }
0x362: {  	[tilespmem:$0x5CF0] =	vst v0  }
0x363: {  	[tilespmem:$0x5D00] =	vst v0  }
0x364: {  	[tilespmem:$0x5D10] =	vst v0  }
0x365: {  	[tilespmem:$0x5D20] =	vst v0  }
0x366: {  	[tilespmem:$0x5D30] =	vst v0  }
0x367: {  	[tilespmem:$0x5D40] =	vst v0  }
0x368: {  	[tilespmem:$0x5D50] =	vst v0  }
0x369: {  	[tilespmem:$0x5D60] =	vst v0  }
0x36a: {  	[tilespmem:$0x5D70] =	vst v0  }
0x36b: {  	[tilespmem:$0x5D80] =	vst v0  }
0x36c: {  	[tilespmem:$0x5D90] =	vst v0  }
0x36d: {  	[tilespmem:$0x5DA0] =	vst v0  }
0x36e: {  	[tilespmem:$0x5DB0] =	vst v0  }
0x36f: {  	[tilespmem:$0x5DC0] =	vst v0  }
0x370: {  	[tilespmem:$0x5DD0] =	vst v0  }
0x371: {  	[tilespmem:$0x5DE0] =	vst v0  }
0x372: {  	[tilespmem:$0x5DF0] =	vst v0  }
0x373: {  	[tilespmem:$0x5E00] =	vst v0  }
0x374: {  	[tilespmem:$0x5E10] =	vst v0  }
0x375: {  	[tilespmem:$0x5E20] =	vst v0  }
0x376: {  	[tilespmem:$0x5E30] =	vst v0  }
0x377: {  	[tilespmem:$0x5E40] =	vst v0  }
0x378: {  	[tilespmem:$0x5E50] =	vst v0  }
0x379: {  	[tilespmem:$0x5E60] =	vst v0  }
0x37a: {  	[tilespmem:$0x5E70] =	vst v0  }
0x37b: {  	[tilespmem:$0x5E80] =	vst v0  }
0x37c: {  	[tilespmem:$0x5E90] =	vst v0  }
0x37d: {  	[tilespmem:$0x5EA0] =	vst v0  }
0x37e: {  	[tilespmem:$0x5EB0] =	vst v0  }
0x37f: {  	[tilespmem:$0x5EC0] =	vst v0  }
0x380: {  	[tilespmem:$0x5ED0] =	vst v0  }
0x381: {  	[tilespmem:$0x5EE0] =	vst v0  }
0x382: {  	[tilespmem:$0x5EF0] =	vst v0  }
0x383: {  	[tilespmem:$0x5F00] =	vst v0  }
0x384: {  	[tilespmem:$0x5F10] =	vst v0  }
0x385: {  	[tilespmem:$0x5F20] =	vst v0  }
0x386: {  	[tilespmem:$0x5F30] =	vst v0  }
0x387: {  	[tilespmem:$0x5F40] =	vst v0  }
0x388: {  	[tilespmem:$0x5F50] =	vst v0  }
0x389: {  	[tilespmem:$0x5F60] =	vst v0  }
0x38a: {  	[tilespmem:$0x5F70] =	vst v0  }
0x38b: {  	[tilespmem:$0x5F80] =	vst v0  }
0x38c: {  	[tilespmem:$0x5F90] =	vst v0  }
0x38d: {  	[tilespmem:$0x5FA0] =	vst v0  }
0x38e: {  	[tilespmem:$0x5FB0] =	vst v0  }
0x38f: {  	[tilespmem:$0x5FC0] =	vst v0  }
0x390: {  	[tilespmem:$0x5FD0] =	vst v0  }
0x391: {  	[tilespmem:$0x5FE0] =	vst v0  }
0x392: {  	[tilespmem:$0x5FF0] =	vst v0  }
0x393: {  	[tilespmem:$0x6000] =	vst v0  }
0x394: {  	[tilespmem:$0x6010] =	vst v0  }
0x395: {  	[tilespmem:$0x6020] =	vst v0  }
0x396: {  	[tilespmem:$0x6030] =	vst v0  }
0x397: {  	[tilespmem:$0x6040] =	vst v0  }
0x398: {  	[tilespmem:$0x6050] =	vst v0  }
0x399: {  	[tilespmem:$0x6060] =	vst v0  }
0x39a: {  	[tilespmem:$0x6070] =	vst v0  }
0x39b: {  	[tilespmem:$0x6080] =	vst v0  }
0x39c: {  	[tilespmem:$0x6090] =	vst v0  }
0x39d: {  	[tilespmem:$0x60A0] =	vst v0  }
0x39e: {  	[tilespmem:$0x60B0] =	vst v0  }
0x39f: {  	[tilespmem:$0x60C0] =	vst v0  }
0x3a0: {  	[tilespmem:$0x60D0] =	vst v0  }
0x3a1: {  	[tilespmem:$0x60E0] =	vst v0  }
0x3a2: {  	[tilespmem:$0x60F0] =	vst v0  }
0x3a3: {  	[tilespmem:$0x6100] =	vst v0  }
0x3a4: {  	[tilespmem:$0x6110] =	vst v0  }
0x3a5: {  	[tilespmem:$0x6120] =	vst v0  }
0x3a6: {  	[tilespmem:$0x6130] =	vst v0  }
0x3a7: {  	[tilespmem:$0x6140] =	vst v0  }
0x3a8: {  	[tilespmem:$0x6150] =	vst v0  }
0x3a9: {  	[tilespmem:$0x6160] =	vst v0  }
0x3aa: {  	[tilespmem:$0x6170] =	vst v0  }
0x3ab: {  	[tilespmem:$0x6180] =	vst v0  }
0x3ac: {  	[tilespmem:$0x6190] =	vst v0  }
0x3ad: {  	[tilespmem:$0x61A0] =	vst v0  }
0x3ae: {  	[tilespmem:$0x61B0] =	vst v0  }
0x3af: {  	[tilespmem:$0x61C0] =	vst v0  }
0x3b0: {  	[tilespmem:$0x61D0] =	vst v0  }
0x3b1: {  	[tilespmem:$0x61E0] =	vst v0  }
0x3b2: {  	[tilespmem:$0x61F0] =	vst v0  }
0x3b3: {  	[tilespmem:$0x6200] =	vst v0  }
0x3b4: {  	[tilespmem:$0x6210] =	vst v0  }
0x3b5: {  	[tilespmem:$0x6220] =	vst v0  }
0x3b6: {  	[tilespmem:$0x6230] =	vst v0  }
0x3b7: {  	[tilespmem:$0x6240] =	vst v0  }
0x3b8: {  	[tilespmem:$0x6250] =	vst v0  }
0x3b9: {  	[tilespmem:$0x6260] =	vst v0  }
0x3ba: {  	[tilespmem:$0x6270] =	vst v0  }
0x3bb: {  	[tilespmem:$0x6280] =	vst v0  }
0x3bc: {  	[tilespmem:$0x6290] =	vst v0  }
0x3bd: {  	[tilespmem:$0x62A0] =	vst v0  }
0x3be: {  	[tilespmem:$0x62B0] =	vst v0  }
0x3bf: {  	[tilespmem:$0x62C0] =	vst v0  }
0x3c0: {  	[tilespmem:$0x62D0] =	vst v0  }
0x3c1: {  	[tilespmem:$0x62E0] =	vst v0  }
0x3c2: {  	[tilespmem:$0x62F0] =	vst v0  }
0x3c3: {  	[tilespmem:$0x6300] =	vst v0  }
0x3c4: {  	[tilespmem:$0x6310] =	vst v0  }
0x3c5: {  	[tilespmem:$0x6320] =	vst v0  }
0x3c6: {  	[tilespmem:$0x6330] =	vst v0  }
0x3c7: {  	[tilespmem:$0x6340] =	vst v0  }
0x3c8: {  	[tilespmem:$0x6350] =	vst v0  }
0x3c9: {  	[tilespmem:$0x6360] =	vst v0  }
0x3ca: {  	[tilespmem:$0x6370] =	vst v0  }
0x3cb: {  	[tilespmem:$0x6380] =	vst v0  }
0x3cc: {  	[tilespmem:$0x6390] =	vst v0  }
0x3cd: {  	[tilespmem:$0x63A0] =	vst v0  }
0x3ce: {  	[tilespmem:$0x63B0] =	vst v0  }
0x3cf: {  	[tilespmem:$0x63C0] =	vst v0  }
0x3d0: {  	[tilespmem:$0x63D0] =	vst v0  }
0x3d1: {  	[tilespmem:$0x63E0] =	vst v0  }
0x3d2: {  	[tilespmem:$0x63F0] =	vst v0  }
0x3d3: {  	[tilespmem:$0x6400] =	vst v0  }
0x3d4: {  	[tilespmem:$0x6410] =	vst v0  }
0x3d5: {  	[tilespmem:$0x6420] =	vst v0  }
0x3d6: {  	[tilespmem:$0x6430] =	vst v0  }
0x3d7: {  	[tilespmem:$0x6440] =	vst v0  }
0x3d8: {  	[tilespmem:$0x6450] =	vst v0  }
0x3d9: {  	[tilespmem:$0x6460] =	vst v0  }
0x3da: {  	[tilespmem:$0x6470] =	vst v0  }
0x3db: {  	[tilespmem:$0x6480] =	vst v0  }
0x3dc: {  	[tilespmem:$0x6490] =	vst v0  }
0x3dd: {  	[tilespmem:$0x64A0] =	vst v0  }
0x3de: {  	[tilespmem:$0x64B0] =	vst v0  }
0x3df: {  	[tilespmem:$0x64C0] =	vst v0  }
0x3e0: {  	[tilespmem:$0x64D0] =	vst v0  }
0x3e1: {  	[tilespmem:$0x64E0] =	vst v0  }
0x3e2: {  	[tilespmem:$0x64F0] =	vst v0  }
0x3e3: {  	[tilespmem:$0x6500] =	vst v0  }
0x3e4: {  	[tilespmem:$0x6510] =	vst v0  }
0x3e5: {  	[tilespmem:$0x6520] =	vst v0  }
0x3e6: {  	[tilespmem:$0x6530] =	vst v0  }
0x3e7: {  	[tilespmem:$0x6540] =	vst v0  }
0x3e8: {  	[tilespmem:$0x6550] =	vst v0  }
0x3e9: {  	[tilespmem:$0x6560] =	vst v0  }
0x3ea: {  	[tilespmem:$0x6570] =	vst v0  }
0x3eb: {  	[tilespmem:$0x6580] =	vst v0  }
0x3ec: {  	[tilespmem:$0x6590] =	vst v0  }
0x3ed: {  	[tilespmem:$0x65A0] =	vst v0  }
0x3ee: {  	[tilespmem:$0x65B0] =	vst v0  }
0x3ef: {  	[tilespmem:$0x65C0] =	vst v0  }
0x3f0: {  	[tilespmem:$0x65D0] =	vst v0  }
0x3f1: {  	[tilespmem:$0x65E0] =	vst v0  }
0x3f2: {  	[tilespmem:$0x65F0] =	vst v0  }
0x3f3: {  	[tilespmem:$0x6600] =	vst v0  }
0x3f4: {  	[tilespmem:$0x6610] =	vst v0  }
0x3f5: {  	[tilespmem:$0x6620] =	vst v0  }
0x3f6: {  	[tilespmem:$0x6630] =	vst v0  }
0x3f7: {  	[tilespmem:$0x6640] =	vst v0  }
0x3f8: {  	[tilespmem:$0x6650] =	vst v0  }
0x3f9: {  	[tilespmem:$0x6660] =	vst v0  }
0x3fa: {  	[tilespmem:$0x6670] =	vst v0  }
0x3fb: {  	[tilespmem:$0x6680] =	vst v0  }
0x3fc: {  	[tilespmem:$0x6690] =	vst v0  }
0x3fd: {  	[tilespmem:$0x66A0] =	vst v0  }
0x3fe: {  	[tilespmem:$0x66B0] =	vst v0  }
0x3ff: {  	[tilespmem:$0x66C0] =	vst v0  }
0x400: {  	[tilespmem:$0x66D0] =	vst v0  }
0x401: {  	[tilespmem:$0x66E0] =	vst v0  }
0x402: {  	[tilespmem:$0x66F0] =	vst v0  }
0x403: {  	[tilespmem:$0x6700] =	vst v0  }
0x404: {  	[tilespmem:$0x6710] =	vst v0  }
0x405: {  	[tilespmem:$0x6720] =	vst v0  }
0x406: {  	[tilespmem:$0x6730] =	vst v0  }
0x407: {  	[tilespmem:$0x6740] =	vst v0  }
0x408: {  	[tilespmem:$0x6750] =	vst v0  }
0x409: {  	[tilespmem:$0x6760] =	vst v0  }
0x40a: {  	[tilespmem:$0x6770] =	vst v0  }
0x40b: {  	[tilespmem:$0x6780] =	vst v0  }
0x40c: {  	[tilespmem:$0x6790] =	vst v0  }
0x40d: {  	[tilespmem:$0x67A0] =	vst v0  }
0x40e: {  	[tilespmem:$0x67B0] =	vst v0  }
0x40f: {  	[tilespmem:$0x67C0] =	vst v0  }
0x410: {  	[tilespmem:$0x67D0] =	vst v0  }
0x411: {  	[tilespmem:$0x67E0] =	vst v0  }
0x412: {  	[tilespmem:$0x67F0] =	vst v0  }
0x413: {  	[spmem:s4] =	stream.linear.scatter [tilespmem:s16], [sflag:$0x3], $0x4000, $0x38;
	[tilespmem:$0x1E800] =	vst v63  }
0x414: {  	_ =	swait.ge [sflag:s17], $0x4000  }
0x415: {  	[sflag:s17] =	ssyncset.done $0x0  }
0x416: {  	[sflag:s17] =	ssyncadd.s32 $0xFFFFC000  }
0x417: {  	[spmem:s5] =	stream.linear.scatter [tilespmem:s16], [sflag:$0x3], $0x4000, $0x38;
	[tilespmem:$0x1E800] =	vst v63  }
0x418: {  	_ =	swait.ge [sflag:s17], $0x4000  }
0x419: {  	[sflag:s17] =	ssyncset.done $0x0  }
0x41a: {  	[sflag:s17] =	ssyncadd.s32 $0xFFFFC000  }
0x41b: {  	[spmem:s6] =	stream.linear.scatter [tilespmem:s16], [sflag:$0x3], $0x4000, $0x38;
	[tilespmem:$0x1E800] =	vst v63  }
0x41c: {  	_ =	swait.ge [sflag:s17], $0x4000  }
0x41d: {  	[sflag:s17] =	ssyncset.done $0x0  }
0x41e: {  	[sflag:s17] =	ssyncadd.s32 $0xFFFFC000  }
0x41f: {  	[spmem:s7] =	stream.linear.scatter [tilespmem:s16], [sflag:$0x3], $0x4000, $0x38;
	[tilespmem:$0x1E800] =	vst v63  }
0x420: {  	_ =	swait.ge [sflag:s17], $0x4000  }
0x421: {  	[sflag:s17] =	ssyncset.done $0x0  }
0x422: {  	[sflag:s17] =	ssyncadd.s32 $0xFFFFC000  }
0x423: {  	[spmem:s8] =	stream.linear.scatter [tilespmem:s16], [sflag:$0x3], $0x4000, $0x38;
	[tilespmem:$0x1E800] =	vst v63  }
0x424: {  	_ =	swait.ge [sflag:s17], $0x4000  }
0x425: {  	[sflag:s17] =	ssyncset.done $0x0  }
0x426: {  	[sflag:s17] =	ssyncadd.s32 $0xFFFFC000  }
0x427: {  	[bflag:$0x0] =	sbarrier.arrive $0xFFFF  }
0x428: {  	[tilespmem:s3], [sflag:$0x3] =	stream.linear.gather [hbm4b:s9+s3], $0x1400, $0x38;
	[tilespmem:$0x1E800] =	vst v63  }
0x429: {  	_ =	swait.ge [sflag:s17], $0x1400  }
0x42a: {  	[sflag:s17] =	ssyncset.done $0x0  }
0x42b: {  	[sflag:s17] =	ssyncadd.s32 $0xFFFFEC00  }
0x42c: {  	[tilespmem:s18], [sflag:$0x3] =	stream.linear.gather [hbm4b:s10+s3], $0x1400, $0x38;
	[tilespmem:$0x1E800] =	vst v63  }
0x42d: {  	_ =	swait.ge [sflag:s17], $0x1400  }
0x42e: {  	[sflag:s17] =	ssyncset.done $0x0  }
0x42f: {  	[sflag:s17] =	ssyncadd.s32 $0xFFFFEC00  }
0x430: {  	[tilespmem:s16], [sflag:$0x1] =	stream.indirect.gather [hbm4b:s11+s19], $0x80, s3, s19, $0xb8;
	[tilespmem:$0x1E800] =	vst v63  }
0x431: {  	_ = 	snop  }
0x432: {  	[tilespmem:s20], [sflag:$0x2] =	stream.indirect.gather [hbm4b:s11+s19], $0x80, s19, s19, $0xb8;
	[tilespmem:$0x1E800] =	vst v63  }
0x433: {  	_ =	swait.ge [sflag:s21], $0x4000  }
0x434: {  	[sflag:s21] =	ssyncset.done $0x0  }
0x435: {  	s26 =	simm.s32 $0x1400;
	[sflag:s21] =	ssyncadd.s32 $0xFFFFC000  }
0x436: {  	[spmem:s1] =	stream.indirect.scatter.add.f32 [tilespmem:s16], [sflag:$0x3], $0x80, s26, s19, $0xb8;
	[tilespmem:$0x1E800] =	vst v63  }
0x437: {  	_ =	swait.ge [sflag:s17], $0x4000  }
0x438: {  	[sflag:s17] =	ssyncset.done $0x0  }
0x439: {  	s30 =	simm.s32 $0x100;
	[sflag:s17] =	ssyncadd.s32 $0xFFFFC000  }
0x43a: {  	[tilespmem:s16], [sflag:$0x1] =	stream.indirect.gather [hbm4b:s11+s19], $0x80, s30, s19, $0xb8;
	[tilespmem:$0x1E800] =	vst v63  }
0x43b: {  	_ =	swait.ge [sflag:s22], $0x4000  }
0x43c: {  	[sflag:s22] =	ssyncset.done $0x0  }
0x43d: {  	s31 =	simm.s32 $0x1480;
	[sflag:s22] =	ssyncadd.s32 $0xFFFFC000  }
0x43e: {  	[spmem:s1] =	stream.indirect.scatter.add.f32 [tilespmem:s20], [sflag:$0x3], $0x80, s31, s19, $0xb8;
	[tilespmem:$0x1E800] =	vst v63  }
0x43f: {  	_ =	swait.ge [sflag:s17], $0x4000  }
0x440: {  	[sflag:s17] =	ssyncset.done $0x0  }
0x441: {  	s28 =	simm.s32 $0x180;
	s26 =	simm.s32 $0x400;
	[sflag:s17] =	ssyncadd.s32 $0xFFFFC000  }
.LBB2_2:
0x442: {  	[tilespmem:s20], [sflag:$0x2] =	stream.indirect.gather [hbm4b:s11+s19], $0x80, s28, s19, $0xb8;
	[tilespmem:$0x1E800] =	vst v63  }
0x443: {  	s28 =	smov.u32 s26  }
0x444: {  	p0 =	sne.s32 s26, $0x4800;
	s26 =	sadd.s32 $0x400, s26;
	_ =	swait.ge [sflag:s21], $0x4000  }
0x445: {  	s28 =	sshra.s32 s28, $0x2;
	[sflag:s21] =	ssyncset.done $0x0  }
0x446: {  	s29 =	sadd.s32 $0x1400, s28;
	[sflag:s21] =	ssyncadd.s32 $0xFFFFC000  }
0x447: {  	[spmem:s1] =	stream.indirect.scatter.add.f32 [tilespmem:s16], [sflag:$0x3], $0x80, s29, s19, $0xb8;
	[tilespmem:$0x1E800] =	vst v63  }
0x448: {  	_ =	swait.ge [sflag:s17], $0x4000  }
0x449: {  	[sflag:s17] =	ssyncset.done $0x0  }
0x44a: {  	s29 =	sadd.s32 $0x100, s28;
	[sflag:s17] =	ssyncadd.s32 $0xFFFFC000  }
0x44b: {  	[tilespmem:s16], [sflag:$0x1] =	stream.indirect.gather [hbm4b:s11+s19], $0x80, s29, s19, $0xb8;
	[tilespmem:$0x1E800] =	vst v63  }
0x44c: {  	_ =	swait.ge [sflag:s22], $0x4000  }
0x44d: {  	[sflag:s22] =	ssyncset.done $0x0  }
.Ltmp0:
0x44e: {  	s29 =	sadd.s32 $0x1480, s28;
	[sflag:s22] =	ssyncadd.s32 $0xFFFFC000;
	(pc) =	sbr.rel @p0 .LBB2_2-.Ltmp0, $4  }
0x44f: {  	[spmem:s1] =	stream.indirect.scatter.add.f32 [tilespmem:s20], [sflag:$0x3], $0x80, s29, s19, $0xb8;
	[tilespmem:$0x1E800] =	vst v63  }
0x450: {  	_ =	swait.ge [sflag:s17], $0x4000  }
0x451: {  	[sflag:s17] =	ssyncset.done $0x0  }
0x452: {  	s28 =	sadd.s32 $0x180, s28;
	[sflag:s17] =	ssyncadd.s32 $0xFFFFC000  }
0x453: {  	[tilespmem:s20], [sflag:$0x2] =	stream.indirect.gather [hbm4b:s11+s19], $0x80, s28, s19, $0xb8;
	[tilespmem:$0x1E800] =	vst v63  }
0x454: {  	_ =	swait.ge [sflag:s21], $0x4000  }
0x455: {  	[sflag:s21] =	ssyncset.done $0x0  }
0x456: {  	[sflag:s21] =	ssyncadd.s32 $0xFFFFC000  }
0x457: {  	[spmem:s1] =	stream.indirect.scatter.add.f32 [tilespmem:s16], [sflag:$0x3], $0x80, s23, s19, $0xb8;
	[tilespmem:$0x1E800] =	vst v63  }
0x458: {  	_ =	swait.ge [sflag:s17], $0x4000  }
0x459: {  	[sflag:s17] =	ssyncset.done $0x0  }
0x45a: {  	[sflag:s17] =	ssyncadd.s32 $0xFFFFC000  }
0x45b: {  	_ =	swait.ge [sflag:s22], $0x4000  }
0x45c: {  	[sflag:s22] =	ssyncset.done $0x0  }
0x45d: {  	[sflag:s22] =	ssyncadd.s32 $0xFFFFC000  }
0x45e: {  	[spmem:s1] =	stream.indirect.scatter.add.f32 [tilespmem:s20], [sflag:$0x3], $0x80, s24, s19, $0xb8;
	[tilespmem:$0x1E800] =	vst v63  }
0x45f: {  	_ =	swait.ge [sflag:s17], $0x4000  }
0x460: {  	[sflag:s17] =	ssyncset.done $0x0  }
0x461: {  	s26 =	simm.s32 $0x0;
	[sflag:s17] =	ssyncadd.s32 $0xFFFFC000  }
0x462: {  	[tilespmem:s26], [sflag:$0x3] =	stream.linear.gather [hbm4b:s12+s26], $0x1400, $0x38;
	[tilespmem:$0x1E800] =	vst v63  }
0x463: {  	_ =	swait.ge [sflag:s17], $0x1400  }
0x464: {  	[sflag:s17] =	ssyncset.done $0x0  }
0x465: {  	[sflag:s17] =	ssyncadd.s32 $0xFFFFEC00  }
0x466: {  	[tilespmem:s18], [sflag:$0x3] =	stream.linear.gather [hbm4b:s13+s26], $0x1400, $0x38;
	[tilespmem:$0x1E800] =	vst v63  }
0x467: {  	_ =	swait.ge [sflag:s17], $0x1400  }
0x468: {  	[sflag:s17] =	ssyncset.done $0x0  }
0x469: {  	[sflag:s17] =	ssyncadd.s32 $0xFFFFEC00  }
0x46a: {  	[tilespmem:s16], [sflag:$0x1] =	stream.indirect.gather [hbm4b:s11+s19], $0x80, s26, s19, $0xb8;
	[tilespmem:$0x1E800] =	vst v63  }
0x46b: {  	_ = 	snop  }
0x46c: {  	[tilespmem:s20], [sflag:$0x2] =	stream.indirect.gather [hbm4b:s11+s19], $0x80, s19, s19, $0xb8;
	[tilespmem:$0x1E800] =	vst v63  }
0x46d: {  	_ =	swait.ge [sflag:s21], $0x4000  }
0x46e: {  	[sflag:s21] =	ssyncset.done $0x0  }
0x46f: {  	s29 =	simm.s32 $0x1400;
	[sflag:s21] =	ssyncadd.s32 $0xFFFFC000  }
0x470: {  	[spmem:s1] =	stream.indirect.scatter.add.f32 [tilespmem:s16], [sflag:$0x3], $0x80, s29, s19, $0xb8;
	[tilespmem:$0x1E800] =	vst v63  }
0x471: {  	_ =	swait.ge [sflag:s17], $0x4000  }
0x472: {  	[sflag:s17] =	ssyncset.done $0x0  }
0x473: {  	s30 =	simm.s32 $0x100;
	[sflag:s17] =	ssyncadd.s32 $0xFFFFC000  }
0x474: {  	[tilespmem:s16], [sflag:$0x1] =	stream.indirect.gather [hbm4b:s11+s19], $0x80, s30, s19, $0xb8;
	[tilespmem:$0x1E800] =	vst v63  }
0x475: {  	_ =	swait.ge [sflag:s22], $0x4000  }
0x476: {  	[sflag:s22] =	ssyncset.done $0x0  }
0x477: {  	s31 =	simm.s32 $0x1480;
	[sflag:s22] =	ssyncadd.s32 $0xFFFFC000  }
0x478: {  	[spmem:s1] =	stream.indirect.scatter.add.f32 [tilespmem:s20], [sflag:$0x3], $0x80, s31, s19, $0xb8;
	[tilespmem:$0x1E800] =	vst v63  }
0x479: {  	_ =	swait.ge [sflag:s17], $0x4000  }
0x47a: {  	[sflag:s17] =	ssyncset.done $0x0  }
0x47b: {  	s28 =	simm.s32 $0x180;
	s26 =	simm.s32 $0x400;
	[sflag:s17] =	ssyncadd.s32 $0xFFFFC000  }
.LBB2_4:
0x47c: {  	[tilespmem:s20], [sflag:$0x2] =	stream.indirect.gather [hbm4b:s11+s19], $0x80, s28, s19, $0xb8;
	[tilespmem:$0x1E800] =	vst v63  }
0x47d: {  	s28 =	smov.u32 s26  }
0x47e: {  	p0 =	sne.s32 s26, $0x4800;
	s26 =	sadd.s32 $0x400, s26;
	_ =	swait.ge [sflag:s21], $0x4000  }
0x47f: {  	s28 =	sshra.s32 s28, $0x2;
	[sflag:s21] =	ssyncset.done $0x0  }
0x480: {  	s29 =	sadd.s32 $0x1400, s28;
	[sflag:s21] =	ssyncadd.s32 $0xFFFFC000  }
0x481: {  	[spmem:s1] =	stream.indirect.scatter.add.f32 [tilespmem:s16], [sflag:$0x3], $0x80, s29, s19, $0xb8;
	[tilespmem:$0x1E800] =	vst v63  }
0x482: {  	_ =	swait.ge [sflag:s17], $0x4000  }
0x483: {  	[sflag:s17] =	ssyncset.done $0x0  }
0x484: {  	s29 =	sadd.s32 $0x100, s28;
	[sflag:s17] =	ssyncadd.s32 $0xFFFFC000  }
0x485: {  	[tilespmem:s16], [sflag:$0x1] =	stream.indirect.gather [hbm4b:s11+s19], $0x80, s29, s19, $0xb8;
	[tilespmem:$0x1E800] =	vst v63  }
0x486: {  	_ =	swait.ge [sflag:s22], $0x4000  }
0x487: {  	[sflag:s22] =	ssyncset.done $0x0  }
.Ltmp1:
0x488: {  	s29 =	sadd.s32 $0x1480, s28;
	[sflag:s22] =	ssyncadd.s32 $0xFFFFC000;
	(pc) =	sbr.rel @p0 .LBB2_4-.Ltmp1, $4  }
0x489: {  	[spmem:s1] =	stream.indirect.scatter.add.f32 [tilespmem:s20], [sflag:$0x3], $0x80, s29, s19, $0xb8;
	[tilespmem:$0x1E800] =	vst v63  }
0x48a: {  	_ =	swait.ge [sflag:s17], $0x4000  }
0x48b: {  	[sflag:s17] =	ssyncset.done $0x0  }
0x48c: {  	s28 =	sadd.s32 $0x180, s28;
	[sflag:s17] =	ssyncadd.s32 $0xFFFFC000  }
0x48d: {  	[tilespmem:s20], [sflag:$0x2] =	stream.indirect.gather [hbm4b:s11+s19], $0x80, s28, s19, $0xb8;
	[tilespmem:$0x1E800] =	vst v63  }
0x48e: {  	_ =	swait.ge [sflag:s21], $0x4000  }
0x48f: {  	[sflag:s21] =	ssyncset.done $0x0  }
0x490: {  	[sflag:s21] =	ssyncadd.s32 $0xFFFFC000  }
0x491: {  	[spmem:s1] =	stream.indirect.scatter.add.f32 [tilespmem:s16], [sflag:$0x3], $0x80, s23, s19, $0xb8;
	[tilespmem:$0x1E800] =	vst v63  }
0x492: {  	_ =	swait.ge [sflag:s17], $0x4000  }
0x493: {  	[sflag:s17] =	ssyncset.done $0x0  }
0x494: {  	[sflag:s17] =	ssyncadd.s32 $0xFFFFC000  }
0x495: {  	_ =	swait.ge [sflag:s22], $0x4000  }
0x496: {  	[sflag:s22] =	ssyncset.done $0x0  }
0x497: {  	[sflag:s22] =	ssyncadd.s32 $0xFFFFC000  }
0x498: {  	[spmem:s1] =	stream.indirect.scatter.add.f32 [tilespmem:s20], [sflag:$0x3], $0x80, s24, s19, $0xb8;
	[tilespmem:$0x1E800] =	vst v63  }
0x499: {  	_ =	swait.ge [sflag:s17], $0x4000  }
0x49a: {  	s26 =	sshll.u32 s2, $0x6;
	s25 =	sadd.s32 $0x1, s25;
	[sflag:s17] =	ssyncset.done $0x0  }
0x49b: {  	s31 =	sshrl.u32 s4, $0x3;
	p0 =	sne.s32 s25, s15;
	[sflag:s17] =	ssyncadd.s32 $0xFFFFC000  }
.Ltmp2:
0x49c: {  	s26 =	sor.u32 $0x1C03, s26;
	[bflag:$0x0] =	sbarrier.arrive $0xFFFF;
	(pc) =	sbr.rel @p0 .LBB2_1-.Ltmp2, $4  }
0x49d: {  	[hbm:s14], [sflag:s26] =	dma.local [spmem:s31], $0x2800  }
0x49e: {  	_ =	swait.ge [sflag:s17], $0x2800  }
0x49f: {  	[sflag:s17] =	ssyncset.done $0x0  }
0x4a0: {  	[sflag:s17] =	ssyncadd.s32 $0xFFFFD800  }
0x4a1: {  	_ =	sfence.sel $0x180000  }
0x4a2: {  	[bflag:$0x0] =	sbarrier.arrive $0xFFFF  }
0x4a3: {  	p0 =	sne.s32 s2, $0x0;
	_ =	strace $0x90000047  }
0x4a4: {  	s0 =	sadd.s32 @!p0 $0x100000, s0;
	[bflag:$0x2] =	sbarrier.arrive $0xFFFF  }
0x4a5: {  	[sflag:s0] =	ssyncadd.tile.s32 @!p0 $0x1;
	_ =	shalt  }
.Lfunc_end2:
_tile_overlayer_lowered:
.L_overlay_start_2:
0x4a6: {  	(tag) =	ssettag $0x2  }
0x4a7: {  	s0 =	rddreg [dreg:$0x0];
	s2 =	stileid.u32  }
0x4a8: {  	s1 =	rddreg [dreg:$0x1];
	p0 =	sne.s32 s2, $0x0  }
0x4a9: {  	s3 =	rddreg [dreg:$0x2];
	[bflag:$0x3] =	sbarrier.arrive $0xFFFF;
	s2 =	simm.s32 @!p0 $0x1C03  }
0x4aa: {  	[timem:s3], [sflag:s2] =	dma.local @!p0 [hbm:s0], s1  }
0x4ab: {  	s0 =	simm.s32 @!p0 $0x3  }
0x4ac: {  	_ =	swait.ge @!p0 [sflag:s0], s1  }
0x4ad: {  	s1 =	ssub.s32 @!p0 $0x0, s1;
	[sflag:s0] =	ssyncset.done @!p0 $0x0  }
0x4ae: {  	[sflag:s0] =	ssyncadd.s32 @!p0 s1  }
0x4af: {  	[bflag:$0x3] =	sbarrier.arrive $0xFFFF  }
0x4b0: {  	_ =	shalt  }

</sc_bundles>
